<compile_context>
chip_gen: v7x
topology: tpu7x:2x2x1
jax: 0.10.2.dev20260603
libtpu: 0.0.44.dev20260713+nightly
codegen_flags: <defaults>
</compile_context>

<pallas_src>
import jax
import jax.numpy as jnp
from jax import lax
from jax.experimental import pallas as pl
from jax.experimental.pallas import tpu as pltpu
from jax.experimental.pallas import tpu_sc as plsc

SEQ = 200
BATCH = 4096
VOCAB = 1000000
DIM = 64
PDIM = 128
NUM_CORES = 2
NUM_SUBCORES = 16
NUM_WORKERS = NUM_CORES * NUM_SUBCORES
BPW = BATCH // NUM_WORKERS
LANES = 16
HALF = SEQ // 2
UNROLL = 8


def _bow_kernel(sent_t_hbm, table_hbm, out_hbm, idx_a, idx_b, buf_x, buf_y,
                buf_z, obuf, gsem):
    c = lax.axis_index("c")
    s = lax.axis_index("s")
    w = c * NUM_SUBCORES + s
    gbase = w * BPW

    pltpu.sync_copy(sent_t_hbm.at[pl.ds(gbase, BPW), pl.ds(0, 128)], idx_a)
    pltpu.sync_copy(sent_t_hbm.at[pl.ds(gbase, BPW), pl.ds(128, 128)], idx_b)

    REM = SEQ - 128

    def fire(buf, r):
        pltpu.async_copy(table_hbm.at[idx_a.at[r]],
                         buf.at[pl.ds(0, 128), :], gsem)
        pltpu.async_copy(table_hbm.at[idx_b.at[r, pl.ds(0, REM)]],
                         buf.at[pl.ds(128, REM), :], gsem)

    def drain(buf, r):
        pltpu.make_async_copy(table_hbm.at[idx_a.at[r]],
                              buf.at[pl.ds(0, 128), :], gsem).wait()
        pltpu.make_async_copy(table_hbm.at[idx_b.at[r, pl.ds(0, REM)]],
                              buf.at[pl.ds(128, REM), :], gsem).wait()

    def reduce(buf, r):
        zero = jnp.zeros((LANES,), jnp.float32)

        def body(i, accs):
            out = []
            for cchunk, a in enumerate(accs):
                for u in range(UNROLL):
                    j = i * UNROLL + u
                    a = a + buf[j, pl.ds(cchunk * LANES, LANES)]
                out.append(a)
            return tuple(out)

        accs = lax.fori_loop(0, SEQ // UNROLL, body,
                             (zero, zero, zero, zero))
        for cchunk, a in enumerate(accs):
            obuf[r, pl.ds(cchunk * LANES, LANES)] = a * (1.0 / SEQ)

    fire(buf_x, 0)
    fire(buf_y, 1)

    @pl.loop(0, BPW // 3)
    def _(i):
        base = 3 * i
        fire(buf_z, base + 2)
        drain(buf_x, base)
        reduce(buf_x, base)
        fire(buf_x, base + 3)
        drain(buf_y, base + 1)
        reduce(buf_y, base + 1)
        fire(buf_y, base + 4)
        drain(buf_z, base + 2)
        reduce(buf_z, base + 2)

    last = 3 * (BPW // 3)
    drain(buf_x, last)
    reduce(buf_x, last)
    drain(buf_y, last + 1)
    reduce(buf_y, last + 1)

    pltpu.sync_copy(obuf.at[...], out_hbm.at[pl.ds(gbase, BPW)])


REPACK_BL = 16384


def _repack_block(t_ref, o_ref):
    o_ref[:, :DIM] = t_ref[...].T


def _repack(table_t):
    return pl.pallas_call(
        _repack_block,
        out_shape=jax.ShapeDtypeStruct((VOCAB, PDIM), jnp.float32),
        grid=(pl.cdiv(VOCAB, REPACK_BL),),
        in_specs=[pl.BlockSpec((DIM, REPACK_BL), lambda i: (0, i))],
        out_specs=pl.BlockSpec((REPACK_BL, PDIM), lambda i: (i, 0)),
    )(table_t)


def kernel(sentence, table):
    sentence_t = jnp.pad(sentence.astype(jnp.int32).T, ((0, 0), (0, 56)))
    table_p = _repack(table.T)
    mesh = plsc.VectorSubcoreMesh(core_axis_name="c", subcore_axis_name="s")
    run = pl.kernel(
        _bow_kernel,
        out_type=jax.ShapeDtypeStruct((BATCH, PDIM), jnp.float32),
        mesh=mesh,
        scratch_types=[
            pltpu.VMEM((BPW, 128), jnp.int32),
            pltpu.VMEM((BPW, 128), jnp.int32),
            pltpu.VMEM((SEQ, PDIM), jnp.float32),
            pltpu.VMEM((SEQ, PDIM), jnp.float32),
            pltpu.VMEM((SEQ, PDIM), jnp.float32),
            pltpu.VMEM((BPW, PDIM), jnp.float32),
            pltpu.SemaphoreType.DMA,
        ],
    )
    return run(sentence_t, table_p)[:, :DIM]

# --- scband reference (transcript-rebuilt; emitter-appended) ---
"""Pipeline reference for scband-bo-w-4690104287649 (READ-ONLY COPY).

The authoritative reference and input builder live on the scoring server;
editing this copy changes nothing except your own understanding.
"""

import jax, jax.numpy as jnp
import numpy as np

VOCAB = 1000000
EMBED_DIM = 64
SEQ_LEN = 200
BATCH = 4096

def setup_inputs(seed: int = 0) -> dict:
    key = jax.random.key(seed)
    k1, k2 = jax.random.split(key)
    sentence = jax.random.randint(k1, (SEQ_LEN, BATCH), 0, VOCAB, dtype=jnp.int64 if jax.config.jax_enable_x64 else jnp.int32)
    table = jax.random.normal(k2, (VOCAB, EMBED_DIM), dtype=jnp.float32)
    return {"sentence": sentence, "table": table}

def reference(sentence, table):
    # out1 = self.embedding(sentence)  -> gather rows
    out1 = jnp.take(table, sentence, axis=0)  # [SEQ_LEN, BATCH, EMBED_DIM]
    # out = torch.mean(out1, dim=0)
    out = jnp.mean(out1, axis=0)  # [BATCH, EMBED_DIM]
    return out

if __name__ == "__main__":
    import jax
    _d = setup_inputs()
    print(jax.jit(kernel)(*tuple(_d.values())))

</pallas_src>

<mosaic_0001>
#map = affine_map<(d0, d1) -> (0, 0)>
module attributes {stable_mosaic.version = 14 : i64} {
  func.func @_bow_kernel(%arg0: i32, %arg1: i32, %arg2: memref<4096x256xi32, #tpu.memory_space<hbm>>, %arg3: memref<1000000x128xf32, #tpu.memory_space<hbm>>, %arg4: memref<4096x128xf32, #tpu.memory_space<hbm>>, %arg5: memref<128x128xi32, #tpu.memory_space<vmem>>, %arg6: memref<128x128xi32, #tpu.memory_space<vmem>>, %arg7: memref<200x128xf32, #tpu.memory_space<vmem>>, %arg8: memref<200x128xf32, #tpu.memory_space<vmem>>, %arg9: memref<200x128xf32, #tpu.memory_space<vmem>>, %arg10: memref<128x128xf32, #tpu.memory_space<vmem>>, %arg11: memref<!tpu.dma_semaphore, #tpu.memory_space<semaphore_mem>>) attributes {dimension_semantics = [#tpu.dimension_semantics<core_parallel>, #tpu.dimension_semantics<subcore_parallel>], iteration_bounds = array<i64: 2, 16>, scalar_prefetch = 0 : i64, scratch_operands = 7 : i64, tpu.core_type = #tpu.core_type<sc_vector_subcore>, window_params = [{transform_indices = #map}, {transform_indices = #map}, {transform_indices = #map}]} {
    %mul3A = arith.constant 16 : i32
    %mul3A_0 = arith.muli %arg0, %mul3A : i32
    %add3A = arith.addi %mul3A_0, %arg1 : i32
    %mul3A_1 = arith.constant 128 : i32
    %mul3A_2 = arith.muli %add3A, %mul3A_1 : i32
    "tpu.region"() ({
      %run_scoped3A = tpu.sem_alloc : memref<!tpu.dma_semaphore, #tpu.memory_space<semaphore_mem>>
      %dma_start3A_171 = arith.constant 0 : i32
      %dma_start3A_172 = tpu.memref_slice %arg2[%mul3A_2, %dma_start3A_171] : memref<4096x256xi32, #tpu.memory_space<hbm>> -> memref<128x128xi32, #tpu.memory_space<hbm>>
      %dma_start3A_173 = arith.constant 0 : i32
      %dma_start3A_174 = tpu.memref_slice %arg2[%mul3A_2, %dma_start3A_173] : memref<4096x256xi32, #tpu.memory_space<hbm>> -> memref<128x128xi32, #tpu.memory_space<hbm>>
      tpu.enqueue_dma source(%dma_start3A_174 : memref<128x128xi32, #tpu.memory_space<hbm>>) target(%arg5 : memref<128x128xi32, #tpu.memory_space<vmem>>) target_semaphore(%run_scoped3A : memref<!tpu.dma_semaphore, #tpu.memory_space<semaphore_mem>>)
      %dma_wait3A_175 = arith.constant 0 : i32
      %dma_wait3A_176 = tpu.memref_slice %arg2[%mul3A_2, %dma_wait3A_175] : memref<4096x256xi32, #tpu.memory_space<hbm>> -> memref<128x128xi32, #tpu.memory_space<hbm>>
      %dma_wait3A_177 = arith.constant 0 : i32
      %dma_wait3A_178 = tpu.memref_slice %arg2[%mul3A_2, %dma_wait3A_177] : memref<4096x256xi32, #tpu.memory_space<hbm>> -> memref<128x128xi32, #tpu.memory_space<hbm>>
      tpu.wait_dma2 semaphore(%run_scoped3A : memref<!tpu.dma_semaphore, #tpu.memory_space<semaphore_mem>>) src(%dma_wait3A_178 : memref<128x128xi32, #tpu.memory_space<hbm>>) dst(%arg5 : memref<128x128xi32, #tpu.memory_space<vmem>>)
      tpu.yield
    }) : () -> ()
    "tpu.region"() ({
      %run_scoped3A = tpu.sem_alloc : memref<!tpu.dma_semaphore, #tpu.memory_space<semaphore_mem>>
      %dma_start3A_171 = arith.constant 128 : i32
      %dma_start3A_172 = tpu.memref_slice %arg2[%mul3A_2, %dma_start3A_171] : memref<4096x256xi32, #tpu.memory_space<hbm>> -> memref<128x128xi32, #tpu.memory_space<hbm>>
      %dma_start3A_173 = arith.constant 128 : i32
      %dma_start3A_174 = tpu.memref_slice %arg2[%mul3A_2, %dma_start3A_173] : memref<4096x256xi32, #tpu.memory_space<hbm>> -> memref<128x128xi32, #tpu.memory_space<hbm>>
      tpu.enqueue_dma source(%dma_start3A_174 : memref<128x128xi32, #tpu.memory_space<hbm>>) target(%arg6 : memref<128x128xi32, #tpu.memory_space<vmem>>) target_semaphore(%run_scoped3A : memref<!tpu.dma_semaphore, #tpu.memory_space<semaphore_mem>>)
      %dma_wait3A_175 = arith.constant 128 : i32
      %dma_wait3A_176 = tpu.memref_slice %arg2[%mul3A_2, %dma_wait3A_175] : memref<4096x256xi32, #tpu.memory_space<hbm>> -> memref<128x128xi32, #tpu.memory_space<hbm>>
      %dma_wait3A_177 = arith.constant 128 : i32
      %dma_wait3A_178 = tpu.memref_slice %arg2[%mul3A_2, %dma_wait3A_177] : memref<4096x256xi32, #tpu.memory_space<hbm>> -> memref<128x128xi32, #tpu.memory_space<hbm>>
      tpu.wait_dma2 semaphore(%run_scoped3A : memref<!tpu.dma_semaphore, #tpu.memory_space<semaphore_mem>>) src(%dma_wait3A_178 : memref<128x128xi32, #tpu.memory_space<hbm>>) dst(%arg6 : memref<128x128xi32, #tpu.memory_space<vmem>>)
      tpu.yield
    }) : () -> ()
    %dma_start3A = arith.constant 0 : i32
    %dma_start3A_3 = arith.constant 0 : i32
    %dma_start3A_4 = arith.constant 0 : i32
    %dma_start3A_5 = tpu.memref_slice %arg7[%dma_start3A_3, %dma_start3A_4] : memref<200x128xf32, #tpu.memory_space<vmem>> -> memref<128x128xf32, #tpu.memory_space<vmem>>
    %dma_start3A_6 = arith.constant 0 : i32
    %dma_start3A_7 = tpu.memref_slice %arg5[%dma_start3A, %dma_start3A_6] : memref<128x128xi32, #tpu.memory_space<vmem>> -> memref<1x128xi32, #tpu.memory_space<vmem>>
    %dma_start3A_8 = tpu.memref_squeeze %dma_start3A_7 : memref<1x128xi32, #tpu.memory_space<vmem>> -> memref<128xi32, #tpu.memory_space<vmem>>
    %dma_start3A_9 = arith.constant 0 : i32
    %dma_start3A_10 = arith.constant 0 : i32
    %dma_start3A_11 = tpu.memref_slice %arg3[%dma_start3A_9, %dma_start3A_10] : memref<1000000x128xf32, #tpu.memory_space<hbm>> -> memref<1000000x128xf32, #tpu.memory_space<hbm>>
    tpu.enqueue_indirect_dma source(%dma_start3A_11 : memref<1000000x128xf32, #tpu.memory_space<hbm>>) target(%dma_start3A_5 : memref<128x128xf32, #tpu.memory_space<vmem>>) offsets(%dma_start3A_8 : memref<128xi32, #tpu.memory_space<vmem>>) semaphore(%arg11 : memref<!tpu.dma_semaphore, #tpu.memory_space<semaphore_mem>>)
    %dma_start3A_12 = arith.constant 0 : i32
    %dma_start3A_13 = arith.constant 128 : i32
    %dma_start3A_14 = arith.constant 0 : i32
    %dma_start3A_15 = tpu.memref_slice %arg7[%dma_start3A_13, %dma_start3A_14] : memref<200x128xf32, #tpu.memory_space<vmem>> -> memref<72x128xf32, #tpu.memory_space<vmem>>
    %dma_start3A_16 = arith.constant 0 : i32
    %dma_start3A_17 = tpu.memref_slice %arg6[%dma_start3A_12, %dma_start3A_16] : memref<128x128xi32, #tpu.memory_space<vmem>> -> memref<1x72xi32, #tpu.memory_space<vmem>>
    %dma_start3A_18 = tpu.memref_squeeze %dma_start3A_17 : memref<1x72xi32, #tpu.memory_space<vmem>> -> memref<72xi32, #tpu.memory_space<vmem>>
    %dma_start3A_19 = arith.constant 0 : i32
    %dma_start3A_20 = arith.constant 0 : i32
    %dma_start3A_21 = tpu.memref_slice %arg3[%dma_start3A_19, %dma_start3A_20] : memref<1000000x128xf32, #tpu.memory_space<hbm>> -> memref<1000000x128xf32, #tpu.memory_space<hbm>>
    tpu.enqueue_indirect_dma source(%dma_start3A_21 : memref<1000000x128xf32, #tpu.memory_space<hbm>>) target(%dma_start3A_15 : memref<72x128xf32, #tpu.memory_space<vmem>>) offsets(%dma_start3A_18 : memref<72xi32, #tpu.memory_space<vmem>>) semaphore(%arg11 : memref<!tpu.dma_semaphore, #tpu.memory_space<semaphore_mem>>)
    %dma_start3A_22 = arith.constant 1 : i32
    %dma_start3A_23 = arith.constant 0 : i32
    %dma_start3A_24 = arith.constant 0 : i32
    %dma_start3A_25 = tpu.memref_slice %arg8[%dma_start3A_23, %dma_start3A_24] : memref<200x128xf32, #tpu.memory_space<vmem>> -> memref<128x128xf32, #tpu.memory_space<vmem>>
    %dma_start3A_26 = arith.constant 0 : i32
    %dma_start3A_27 = tpu.memref_slice %arg5[%dma_start3A_22, %dma_start3A_26] : memref<128x128xi32, #tpu.memory_space<vmem>> -> memref<1x128xi32, #tpu.memory_space<vmem>>
    %dma_start3A_28 = tpu.memref_squeeze %dma_start3A_27 : memref<1x128xi32, #tpu.memory_space<vmem>> -> memref<128xi32, #tpu.memory_space<vmem>>
    %dma_start3A_29 = arith.constant 0 : i32
    %dma_start3A_30 = arith.constant 0 : i32
    %dma_start3A_31 = tpu.memref_slice %arg3[%dma_start3A_29, %dma_start3A_30] : memref<1000000x128xf32, #tpu.memory_space<hbm>> -> memref<1000000x128xf32, #tpu.memory_space<hbm>>
    tpu.enqueue_indirect_dma source(%dma_start3A_31 : memref<1000000x128xf32, #tpu.memory_space<hbm>>) target(%dma_start3A_25 : memref<128x128xf32, #tpu.memory_space<vmem>>) offsets(%dma_start3A_28 : memref<128xi32, #tpu.memory_space<vmem>>) semaphore(%arg11 : memref<!tpu.dma_semaphore, #tpu.memory_space<semaphore_mem>>)
    %dma_start3A_32 = arith.constant 1 : i32
    %dma_start3A_33 = arith.constant 128 : i32
    %dma_start3A_34 = arith.constant 0 : i32
    %dma_start3A_35 = tpu.memref_slice %arg8[%dma_start3A_33, %dma_start3A_34] : memref<200x128xf32, #tpu.memory_space<vmem>> -> memref<72x128xf32, #tpu.memory_space<vmem>>
    %dma_start3A_36 = arith.constant 0 : i32
    %dma_start3A_37 = tpu.memref_slice %arg6[%dma_start3A_32, %dma_start3A_36] : memref<128x128xi32, #tpu.memory_space<vmem>> -> memref<1x72xi32, #tpu.memory_space<vmem>>
    %dma_start3A_38 = tpu.memref_squeeze %dma_start3A_37 : memref<1x72xi32, #tpu.memory_space<vmem>> -> memref<72xi32, #tpu.memory_space<vmem>>
    %dma_start3A_39 = arith.constant 0 : i32
    %dma_start3A_40 = arith.constant 0 : i32
    %dma_start3A_41 = tpu.memref_slice %arg3[%dma_start3A_39, %dma_start3A_40] : memref<1000000x128xf32, #tpu.memory_space<hbm>> -> memref<1000000x128xf32, #tpu.memory_space<hbm>>
    tpu.enqueue_indirect_dma source(%dma_start3A_41 : memref<1000000x128xf32, #tpu.memory_space<hbm>>) target(%dma_start3A_35 : memref<72x128xf32, #tpu.memory_space<vmem>>) offsets(%dma_start3A_38 : memref<72xi32, #tpu.memory_space<vmem>>) semaphore(%arg11 : memref<!tpu.dma_semaphore, #tpu.memory_space<semaphore_mem>>)
    %scan3A = arith.constant 0 : i32
    %scan3A_42 = arith.constant 42 : i32
    %scan3A_43 = arith.addi %scan3A, %scan3A_42 : i32
    %scan3A_44 = arith.constant 1 : i32
    scf.for %scan3A_171 = %scan3A to %scan3A_43 step %scan3A_44  : i32 {
      %mul3A_172 = arith.constant 1 : i32
      %mul3A_173 = arith.muli %scan3A_171, %mul3A_172 : i32
      %add3A_174 = arith.constant 0 : i32
      %add3A_175 = arith.addi %add3A_174, %mul3A_173 : i32
      %mul3A_176 = arith.constant 3 : i32
      %mul3A_177 = arith.muli %mul3A_176, %add3A_175 : i32
      %add3A_178 = arith.constant 2 : i32
      %add3A_179 = arith.addi %mul3A_177, %add3A_178 : i32
      %dma_start3A_180 = arith.constant 0 : i32
      %dma_start3A_181 = arith.constant 0 : i32
      %dma_start3A_182 = tpu.memref_slice %arg9[%dma_start3A_180, %dma_start3A_181] : memref<200x128xf32, #tpu.memory_space<vmem>> -> memref<128x128xf32, #tpu.memory_space<vmem>>
      %dma_start3A_183 = arith.constant 0 : i32
      %dma_start3A_184 = tpu.memref_slice %arg5[%add3A_179, %dma_start3A_183] : memref<128x128xi32, #tpu.memory_space<vmem>> -> memref<1x128xi32, #tpu.memory_space<vmem>>
      %dma_start3A_185 = tpu.memref_squeeze %dma_start3A_184 : memref<1x128xi32, #tpu.memory_space<vmem>> -> memref<128xi32, #tpu.memory_space<vmem>>
      %dma_start3A_186 = arith.constant 0 : i32
      %dma_start3A_187 = arith.constant 0 : i32
      %dma_start3A_188 = tpu.memref_slice %arg3[%dma_start3A_186, %dma_start3A_187] : memref<1000000x128xf32, #tpu.memory_space<hbm>> -> memref<1000000x128xf32, #tpu.memory_space<hbm>>
      tpu.enqueue_indirect_dma source(%dma_start3A_188 : memref<1000000x128xf32, #tpu.memory_space<hbm>>) target(%dma_start3A_182 : memref<128x128xf32, #tpu.memory_space<vmem>>) offsets(%dma_start3A_185 : memref<128xi32, #tpu.memory_space<vmem>>) semaphore(%arg11 : memref<!tpu.dma_semaphore, #tpu.memory_space<semaphore_mem>>)
      %dma_start3A_189 = arith.constant 128 : i32
      %dma_start3A_190 = arith.constant 0 : i32
      %dma_start3A_191 = tpu.memref_slice %arg9[%dma_start3A_189, %dma_start3A_190] : memref<200x128xf32, #tpu.memory_space<vmem>> -> memref<72x128xf32, #tpu.memory_space<vmem>>
      %dma_start3A_192 = arith.constant 0 : i32
      %dma_start3A_193 = tpu.memref_slice %arg6[%add3A_179, %dma_start3A_192] : memref<128x128xi32, #tpu.memory_space<vmem>> -> memref<1x72xi32, #tpu.memory_space<vmem>>
      %dma_start3A_194 = tpu.memref_squeeze %dma_start3A_193 : memref<1x72xi32, #tpu.memory_space<vmem>> -> memref<72xi32, #tpu.memory_space<vmem>>
      %dma_start3A_195 = arith.constant 0 : i32
      %dma_start3A_196 = arith.constant 0 : i32
      %dma_start3A_197 = tpu.memref_slice %arg3[%dma_start3A_195, %dma_start3A_196] : memref<1000000x128xf32, #tpu.memory_space<hbm>> -> memref<1000000x128xf32, #tpu.memory_space<hbm>>
      tpu.enqueue_indirect_dma source(%dma_start3A_197 : memref<1000000x128xf32, #tpu.memory_space<hbm>>) target(%dma_start3A_191 : memref<72x128xf32, #tpu.memory_space<vmem>>) offsets(%dma_start3A_194 : memref<72xi32, #tpu.memory_space<vmem>>) semaphore(%arg11 : memref<!tpu.dma_semaphore, #tpu.memory_space<semaphore_mem>>)
      %dma_wait3A_198 = arith.constant 0 : i32
      %dma_wait3A_199 = arith.constant 0 : i32
      %dma_wait3A_200 = tpu.memref_slice %arg7[%dma_wait3A_198, %dma_wait3A_199] : memref<200x128xf32, #tpu.memory_space<vmem>> -> memref<128x128xf32, #tpu.memory_space<vmem>>
      %dma_wait3A_201 = arith.constant 0 : i32
      %dma_wait3A_202 = tpu.memref_slice %arg5[%mul3A_177, %dma_wait3A_201] : memref<128x128xi32, #tpu.memory_space<vmem>> -> memref<1x128xi32, #tpu.memory_space<vmem>>
      %dma_wait3A_203 = tpu.memref_squeeze %dma_wait3A_202 : memref<1x128xi32, #tpu.memory_space<vmem>> -> memref<128xi32, #tpu.memory_space<vmem>>
      %dma_wait3A_204 = arith.constant 0 : i32
      %dma_wait3A_205 = arith.constant 0 : i32
      %dma_wait3A_206 = tpu.memref_slice %arg3[%dma_wait3A_204, %dma_wait3A_205] : memref<1000000x128xf32, #tpu.memory_space<hbm>> -> memref<1000000x128xf32, #tpu.memory_space<hbm>>
      tpu.wait_indirect_dma semaphore(%arg11 : memref<!tpu.dma_semaphore, #tpu.memory_space<semaphore_mem>>) src(%dma_wait3A_206 : memref<1000000x128xf32, #tpu.memory_space<hbm>>) dst(%dma_wait3A_200 : memref<128x128xf32, #tpu.memory_space<vmem>>)
      %dma_wait3A_207 = arith.constant 128 : i32
      %dma_wait3A_208 = arith.constant 0 : i32
      %dma_wait3A_209 = tpu.memref_slice %arg7[%dma_wait3A_207, %dma_wait3A_208] : memref<200x128xf32, #tpu.memory_space<vmem>> -> memref<72x128xf32, #tpu.memory_space<vmem>>
      %dma_wait3A_210 = arith.constant 0 : i32
      %dma_wait3A_211 = tpu.memref_slice %arg6[%mul3A_177, %dma_wait3A_210] : memref<128x128xi32, #tpu.memory_space<vmem>> -> memref<1x72xi32, #tpu.memory_space<vmem>>
      %dma_wait3A_212 = tpu.memref_squeeze %dma_wait3A_211 : memref<1x72xi32, #tpu.memory_space<vmem>> -> memref<72xi32, #tpu.memory_space<vmem>>
      %dma_wait3A_213 = arith.constant 0 : i32
      %dma_wait3A_214 = arith.constant 0 : i32
      %dma_wait3A_215 = tpu.memref_slice %arg3[%dma_wait3A_213, %dma_wait3A_214] : memref<1000000x128xf32, #tpu.memory_space<hbm>> -> memref<1000000x128xf32, #tpu.memory_space<hbm>>
      tpu.wait_indirect_dma semaphore(%arg11 : memref<!tpu.dma_semaphore, #tpu.memory_space<semaphore_mem>>) src(%dma_wait3A_215 : memref<1000000x128xf32, #tpu.memory_space<hbm>>) dst(%dma_wait3A_209 : memref<72x128xf32, #tpu.memory_space<vmem>>)
      %broadcast_in_dim3A_216 = arith.constant 0.000000e+00 : f32
      %broadcast_in_dim3A_217 = vector.broadcast %broadcast_in_dim3A_216 : f32 to vector<16xf32>
      %scan3A_218 = arith.constant 0 : i32
      %scan3A_219 = arith.constant 25 : i32
      %scan3A_220 = arith.addi %scan3A_218, %scan3A_219 : i32
      %scan3A_221 = arith.constant 1 : i32
      %scan3A_222:4 = scf.for %scan3A_420 = %scan3A_218 to %scan3A_220 step %scan3A_221 iter_args(%scan3A_421 = %broadcast_in_dim3A_217, %scan3A_422 = %broadcast_in_dim3A_217, %scan3A_423 = %broadcast_in_dim3A_217, %scan3A_424 = %broadcast_in_dim3A_217) -> (vector<16xf32>, vector<16xf32>, vector<16xf32>, vector<16xf32>)  : i32 {
        %mul3A_425 = arith.constant 8 : i32
        %mul3A_426 = arith.muli %scan3A_420, %mul3A_425 : i32
        %add3A_427 = arith.constant 0 : i32
        %add3A_428 = arith.addi %mul3A_426, %add3A_427 : i32
        %get3A = arith.index_cast %add3A_428 : i32 to index
        %get3A_429 = arith.constant 0 : index
        %get3A_430 = tpu.vector_load %arg7[%get3A, %get3A_429] {strides = array<i32>} : memref<200x128xf32, #tpu.memory_space<vmem>>, vector<1x16xf32>,
        %get3A_431 = vector.shape_cast %get3A_430 : vector<1x16xf32> to vector<16xf32>
        %add3A_432 = arith.addf %scan3A_421, %get3A_431 : vector<16xf32>
        %mul3A_433 = arith.constant 8 : i32
        %mul3A_434 = arith.muli %scan3A_420, %mul3A_433 : i32
        %add3A_435 = arith.constant 1 : i32
        %add3A_436 = arith.addi %mul3A_434, %add3A_435 : i32
        %get3A_437 = arith.index_cast %add3A_436 : i32 to index
        %get3A_438 = arith.constant 0 : index
        %get3A_439 = tpu.vector_load %arg7[%get3A_437, %get3A_438] {strides = array<i32>} : memref<200x128xf32, #tpu.memory_space<vmem>>, vector<1x16xf32>,
        %get3A_440 = vector.shape_cast %get3A_439 : vector<1x16xf32> to vector<16xf32>
        %add3A_441 = arith.addf %add3A_432, %get3A_440 : vector<16xf32>
        %mul3A_442 = arith.constant 8 : i32
        %mul3A_443 = arith.muli %scan3A_420, %mul3A_442 : i32
        %add3A_444 = arith.constant 2 : i32
        %add3A_445 = arith.addi %mul3A_443, %add3A_444 : i32
        %get3A_446 = arith.index_cast %add3A_445 : i32 to index
        %get3A_447 = arith.constant 0 : index
        %get3A_448 = tpu.vector_load %arg7[%get3A_446, %get3A_447] {strides = array<i32>} : memref<200x128xf32, #tpu.memory_space<vmem>>, vector<1x16xf32>,
        %get3A_449 = vector.shape_cast %get3A_448 : vector<1x16xf32> to vector<16xf32>
        %add3A_450 = arith.addf %add3A_441, %get3A_449 : vector<16xf32>
        %mul3A_451 = arith.constant 8 : i32
        %mul3A_452 = arith.muli %scan3A_420, %mul3A_451 : i32
        %add3A_453 = arith.constant 3 : i32
        %add3A_454 = arith.addi %mul3A_452, %add3A_453 : i32
        %get3A_455 = arith.index_cast %add3A_454 : i32 to index
        %get3A_456 = arith.constant 0 : index
        %get3A_457 = tpu.vector_load %arg7[%get3A_455, %get3A_456] {strides = array<i32>} : memref<200x128xf32, #tpu.memory_space<vmem>>, vector<1x16xf32>,
        %get3A_458 = vector.shape_cast %get3A_457 : vector<1x16xf32> to vector<16xf32>
        %add3A_459 = arith.addf %add3A_450, %get3A_458 : vector<16xf32>
        %mul3A_460 = arith.constant 8 : i32
        %mul3A_461 = arith.muli %scan3A_420, %mul3A_460 : i32
        %add3A_462 = arith.constant 4 : i32
        %add3A_463 = arith.addi %mul3A_461, %add3A_462 : i32
        %get3A_464 = arith.index_cast %add3A_463 : i32 to index
        %get3A_465 = arith.constant 0 : index
        %get3A_466 = tpu.vector_load %arg7[%get3A_464, %get3A_465] {strides = array<i32>} : memref<200x128xf32, #tpu.memory_space<vmem>>, vector<1x16xf32>,
        %get3A_467 = vector.shape_cast %get3A_466 : vector<1x16xf32> to vector<16xf32>
        %add3A_468 = arith.addf %add3A_459, %get3A_467 : vector<16xf32>
        %mul3A_469 = arith.constant 8 : i32
        %mul3A_470 = arith.muli %scan3A_420, %mul3A_469 : i32
        %add3A_471 = arith.constant 5 : i32
        %add3A_472 = arith.addi %mul3A_470, %add3A_471 : i32
        %get3A_473 = arith.index_cast %add3A_472 : i32 to index
        %get3A_474 = arith.constant 0 : index
        %get3A_475 = tpu.vector_load %arg7[%get3A_473, %get3A_474] {strides = array<i32>} : memref<200x128xf32, #tpu.memory_space<vmem>>, vector<1x16xf32>,
        %get3A_476 = vector.shape_cast %get3A_475 : vector<1x16xf32> to vector<16xf32>
        %add3A_477 = arith.addf %add3A_468, %get3A_476 : vector<16xf32>
        %mul3A_478 = arith.constant 8 : i32
        %mul3A_479 = arith.muli %scan3A_420, %mul3A_478 : i32
        %add3A_480 = arith.constant 6 : i32
        %add3A_481 = arith.addi %mul3A_479, %add3A_480 : i32
        %get3A_482 = arith.index_cast %add3A_481 : i32 to index
        %get3A_483 = arith.constant 0 : index
        %get3A_484 = tpu.vector_load %arg7[%get3A_482, %get3A_483] {strides = array<i32>} : memref<200x128xf32, #tpu.memory_space<vmem>>, vector<1x16xf32>,
        %get3A_485 = vector.shape_cast %get3A_484 : vector<1x16xf32> to vector<16xf32>
        %add3A_486 = arith.addf %add3A_477, %get3A_485 : vector<16xf32>
        %mul3A_487 = arith.constant 8 : i32
        %mul3A_488 = arith.muli %scan3A_420, %mul3A_487 : i32
        %add3A_489 = arith.constant 7 : i32
        %add3A_490 = arith.addi %mul3A_488, %add3A_489 : i32
        %get3A_491 = arith.index_cast %add3A_490 : i32 to index
        %get3A_492 = arith.constant 0 : index
        %get3A_493 = tpu.vector_load %arg7[%get3A_491, %get3A_492] {strides = array<i32>} : memref<200x128xf32, #tpu.memory_space<vmem>>, vector<1x16xf32>,
        %get3A_494 = vector.shape_cast %get3A_493 : vector<1x16xf32> to vector<16xf32>
        %add3A_495 = arith.addf %add3A_486, %get3A_494 : vector<16xf32>
        %mul3A_496 = arith.constant 8 : i32
        %mul3A_497 = arith.muli %scan3A_420, %mul3A_496 : i32
        %add3A_498 = arith.constant 0 : i32
        %add3A_499 = arith.addi %mul3A_497, %add3A_498 : i32
        %get3A_500 = arith.index_cast %add3A_499 : i32 to index
        %get3A_501 = arith.constant 16 : index
        %get3A_502 = tpu.vector_load %arg7[%get3A_500, %get3A_501] {strides = array<i32>} : memref<200x128xf32, #tpu.memory_space<vmem>>, vector<1x16xf32>,
        %get3A_503 = vector.shape_cast %get3A_502 : vector<1x16xf32> to vector<16xf32>
        %add3A_504 = arith.addf %scan3A_422, %get3A_503 : vector<16xf32>
        %mul3A_505 = arith.constant 8 : i32
        %mul3A_506 = arith.muli %scan3A_420, %mul3A_505 : i32
        %add3A_507 = arith.constant 1 : i32
        %add3A_508 = arith.addi %mul3A_506, %add3A_507 : i32
        %get3A_509 = arith.index_cast %add3A_508 : i32 to index
        %get3A_510 = arith.constant 16 : index
        %get3A_511 = tpu.vector_load %arg7[%get3A_509, %get3A_510] {strides = array<i32>} : memref<200x128xf32, #tpu.memory_space<vmem>>, vector<1x16xf32>,
        %get3A_512 = vector.shape_cast %get3A_511 : vector<1x16xf32> to vector<16xf32>
        %add3A_513 = arith.addf %add3A_504, %get3A_512 : vector<16xf32>
        %mul3A_514 = arith.constant 8 : i32
        %mul3A_515 = arith.muli %scan3A_420, %mul3A_514 : i32
        %add3A_516 = arith.constant 2 : i32
        %add3A_517 = arith.addi %mul3A_515, %add3A_516 : i32
        %get3A_518 = arith.index_cast %add3A_517 : i32 to index
        %get3A_519 = arith.constant 16 : index
        %get3A_520 = tpu.vector_load %arg7[%get3A_518, %get3A_519] {strides = array<i32>} : memref<200x128xf32, #tpu.memory_space<vmem>>, vector<1x16xf32>,
        %get3A_521 = vector.shape_cast %get3A_520 : vector<1x16xf32> to vector<16xf32>
        %add3A_522 = arith.addf %add3A_513, %get3A_521 : vector<16xf32>
        %mul3A_523 = arith.constant 8 : i32
        %mul3A_524 = arith.muli %scan3A_420, %mul3A_523 : i32
        %add3A_525 = arith.constant 3 : i32
        %add3A_526 = arith.addi %mul3A_524, %add3A_525 : i32
        %get3A_527 = arith.index_cast %add3A_526 : i32 to index
        %get3A_528 = arith.constant 16 : index
        %get3A_529 = tpu.vector_load %arg7[%get3A_527, %get3A_528] {strides = array<i32>} : memref<200x128xf32, #tpu.memory_space<vmem>>, vector<1x16xf32>,
        %get3A_530 = vector.shape_cast %get3A_529 : vector<1x16xf32> to vector<16xf32>
        %add3A_531 = arith.addf %add3A_522, %get3A_530 : vector<16xf32>
        %mul3A_532 = arith.constant 8 : i32
        %mul3A_533 = arith.muli %scan3A_420, %mul3A_532 : i32
        %add3A_534 = arith.constant 4 : i32
        %add3A_535 = arith.addi %mul3A_533, %add3A_534 : i32
        %get3A_536 = arith.index_cast %add3A_535 : i32 to index
        %get3A_537 = arith.constant 16 : index
        %get3A_538 = tpu.vector_load %arg7[%get3A_536, %get3A_537] {strides = array<i32>} : memref<200x128xf32, #tpu.memory_space<vmem>>, vector<1x16xf32>,
        %get3A_539 = vector.shape_cast %get3A_538 : vector<1x16xf32> to vector<16xf32>
        %add3A_540 = arith.addf %add3A_531, %get3A_539 : vector<16xf32>
        %mul3A_541 = arith.constant 8 : i32
        %mul3A_542 = arith.muli %scan3A_420, %mul3A_541 : i32
        %add3A_543 = arith.constant 5 : i32
        %add3A_544 = arith.addi %mul3A_542, %add3A_543 : i32
        %get3A_545 = arith.index_cast %add3A_544 : i32 to index
        %get3A_546 = arith.constant 16 : index
        %get3A_547 = tpu.vector_load %arg7[%get3A_545, %get3A_546] {strides = array<i32>} : memref<200x128xf32, #tpu.memory_space<vmem>>, vector<1x16xf32>,
        %get3A_548 = vector.shape_cast %get3A_547 : vector<1x16xf32> to vector<16xf32>
        %add3A_549 = arith.addf %add3A_540, %get3A_548 : vector<16xf32>
        %mul3A_550 = arith.constant 8 : i32
        %mul3A_551 = arith.muli %scan3A_420, %mul3A_550 : i32
        %add3A_552 = arith.constant 6 : i32
        %add3A_553 = arith.addi %mul3A_551, %add3A_552 : i32
        %get3A_554 = arith.index_cast %add3A_553 : i32 to index
        %get3A_555 = arith.constant 16 : index
        %get3A_556 = tpu.vector_load %arg7[%get3A_554, %get3A_555] {strides = array<i32>} : memref<200x128xf32, #tpu.memory_space<vmem>>, vector<1x16xf32>,
        %get3A_557 = vector.shape_cast %get3A_556 : vector<1x16xf32> to vector<16xf32>
        %add3A_558 = arith.addf %add3A_549, %get3A_557 : vector<16xf32>
        %mul3A_559 = arith.constant 8 : i32
        %mul3A_560 = arith.muli %scan3A_420, %mul3A_559 : i32
        %add3A_561 = arith.constant 7 : i32
        %add3A_562 = arith.addi %mul3A_560, %add3A_561 : i32
        %get3A_563 = arith.index_cast %add3A_562 : i32 to index
        %get3A_564 = arith.constant 16 : index
        %get3A_565 = tpu.vector_load %arg7[%get3A_563, %get3A_564] {strides = array<i32>} : memref<200x128xf32, #tpu.memory_space<vmem>>, vector<1x16xf32>,
        %get3A_566 = vector.shape_cast %get3A_565 : vector<1x16xf32> to vector<16xf32>
        %add3A_567 = arith.addf %add3A_558, %get3A_566 : vector<16xf32>
        %mul3A_568 = arith.constant 8 : i32
        %mul3A_569 = arith.muli %scan3A_420, %mul3A_568 : i32
        %add3A_570 = arith.constant 0 : i32
        %add3A_571 = arith.addi %mul3A_569, %add3A_570 : i32
        %get3A_572 = arith.index_cast %add3A_571 : i32 to index
        %get3A_573 = arith.constant 32 : index
        %get3A_574 = tpu.vector_load %arg7[%get3A_572, %get3A_573] {strides = array<i32>} : memref<200x128xf32, #tpu.memory_space<vmem>>, vector<1x16xf32>,
        %get3A_575 = vector.shape_cast %get3A_574 : vector<1x16xf32> to vector<16xf32>
        %add3A_576 = arith.addf %scan3A_423, %get3A_575 : vector<16xf32>
        %mul3A_577 = arith.constant 8 : i32
        %mul3A_578 = arith.muli %scan3A_420, %mul3A_577 : i32
        %add3A_579 = arith.constant 1 : i32
        %add3A_580 = arith.addi %mul3A_578, %add3A_579 : i32
        %get3A_581 = arith.index_cast %add3A_580 : i32 to index
        %get3A_582 = arith.constant 32 : index
        %get3A_583 = tpu.vector_load %arg7[%get3A_581, %get3A_582] {strides = array<i32>} : memref<200x128xf32, #tpu.memory_space<vmem>>, vector<1x16xf32>,
        %get3A_584 = vector.shape_cast %get3A_583 : vector<1x16xf32> to vector<16xf32>
        %add3A_585 = arith.addf %add3A_576, %get3A_584 : vector<16xf32>
        %mul3A_586 = arith.constant 8 : i32
        %mul3A_587 = arith.muli %scan3A_420, %mul3A_586 : i32
        %add3A_588 = arith.constant 2 : i32
        %add3A_589 = arith.addi %mul3A_587, %add3A_588 : i32
        %get3A_590 = arith.index_cast %add3A_589 : i32 to index
        %get3A_591 = arith.constant 32 : index
        %get3A_592 = tpu.vector_load %arg7[%get3A_590, %get3A_591] {strides = array<i32>} : memref<200x128xf32, #tpu.memory_space<vmem>>, vector<1x16xf32>,
        %get3A_593 = vector.shape_cast %get3A_592 : vector<1x16xf32> to vector<16xf32>
        %add3A_594 = arith.addf %add3A_585, %get3A_593 : vector<16xf32>
        %mul3A_595 = arith.constant 8 : i32
        %mul3A_596 = arith.muli %scan3A_420, %mul3A_595 : i32
        %add3A_597 = arith.constant 3 : i32
        %add3A_598 = arith.addi %mul3A_596, %add3A_597 : i32
        %get3A_599 = arith.index_cast %add3A_598 : i32 to index
        %get3A_600 = arith.constant 32 : index
        %get3A_601 = tpu.vector_load %arg7[%get3A_599, %get3A_600] {strides = array<i32>} : memref<200x128xf32, #tpu.memory_space<vmem>>, vector<1x16xf32>,
        %get3A_602 = vector.shape_cast %get3A_601 : vector<1x16xf32> to vector<16xf32>
        %add3A_603 = arith.addf %add3A_594, %get3A_602 : vector<16xf32>
        %mul3A_604 = arith.constant 8 : i32
        %mul3A_605 = arith.muli %scan3A_420, %mul3A_604 : i32
        %add3A_606 = arith.constant 4 : i32
        %add3A_607 = arith.addi %mul3A_605, %add3A_606 : i32
        %get3A_608 = arith.index_cast %add3A_607 : i32 to index
        %get3A_609 = arith.constant 32 : index
        %get3A_610 = tpu.vector_load %arg7[%get3A_608, %get3A_609] {strides = array<i32>} : memref<200x128xf32, #tpu.memory_space<vmem>>, vector<1x16xf32>,
        %get3A_611 = vector.shape_cast %get3A_610 : vector<1x16xf32> to vector<16xf32>
        %add3A_612 = arith.addf %add3A_603, %get3A_611 : vector<16xf32>
        %mul3A_613 = arith.constant 8 : i32
        %mul3A_614 = arith.muli %scan3A_420, %mul3A_613 : i32
        %add3A_615 = arith.constant 5 : i32
        %add3A_616 = arith.addi %mul3A_614, %add3A_615 : i32
        %get3A_617 = arith.index_cast %add3A_616 : i32 to index
        %get3A_618 = arith.constant 32 : index
        %get3A_619 = tpu.vector_load %arg7[%get3A_617, %get3A_618] {strides = array<i32>} : memref<200x128xf32, #tpu.memory_space<vmem>>, vector<1x16xf32>,
        %get3A_620 = vector.shape_cast %get3A_619 : vector<1x16xf32> to vector<16xf32>
        %add3A_621 = arith.addf %add3A_612, %get3A_620 : vector<16xf32>
        %mul3A_622 = arith.constant 8 : i32
        %mul3A_623 = arith.muli %scan3A_420, %mul3A_622 : i32
        %add3A_624 = arith.constant 6 : i32
        %add3A_625 = arith.addi %mul3A_623, %add3A_624 : i32
        %get3A_626 = arith.index_cast %add3A_625 : i32 to index
        %get3A_627 = arith.constant 32 : index
        %get3A_628 = tpu.vector_load %arg7[%get3A_626, %get3A_627] {strides = array<i32>} : memref<200x128xf32, #tpu.memory_space<vmem>>, vector<1x16xf32>,
        %get3A_629 = vector.shape_cast %get3A_628 : vector<1x16xf32> to vector<16xf32>
        %add3A_630 = arith.addf %add3A_621, %get3A_629 : vector<16xf32>
        %mul3A_631 = arith.constant 8 : i32
        %mul3A_632 = arith.muli %scan3A_420, %mul3A_631 : i32
        %add3A_633 = arith.constant 7 : i32
        %add3A_634 = arith.addi %mul3A_632, %add3A_633 : i32
        %get3A_635 = arith.index_cast %add3A_634 : i32 to index
        %get3A_636 = arith.constant 32 : index
        %get3A_637 = tpu.vector_load %arg7[%get3A_635, %get3A_636] {strides = array<i32>} : memref<200x128xf32, #tpu.memory_space<vmem>>, vector<1x16xf32>,
        %get3A_638 = vector.shape_cast %get3A_637 : vector<1x16xf32> to vector<16xf32>
        %add3A_639 = arith.addf %add3A_630, %get3A_638 : vector<16xf32>
        %mul3A_640 = arith.constant 8 : i32
        %mul3A_641 = arith.muli %scan3A_420, %mul3A_640 : i32
        %add3A_642 = arith.constant 0 : i32
        %add3A_643 = arith.addi %mul3A_641, %add3A_642 : i32
        %get3A_644 = arith.index_cast %add3A_643 : i32 to index
        %get3A_645 = arith.constant 48 : index
        %get3A_646 = tpu.vector_load %arg7[%get3A_644, %get3A_645] {strides = array<i32>} : memref<200x128xf32, #tpu.memory_space<vmem>>, vector<1x16xf32>,
        %get3A_647 = vector.shape_cast %get3A_646 : vector<1x16xf32> to vector<16xf32>
        %add3A_648 = arith.addf %scan3A_424, %get3A_647 : vector<16xf32>
        %mul3A_649 = arith.constant 8 : i32
        %mul3A_650 = arith.muli %scan3A_420, %mul3A_649 : i32
        %add3A_651 = arith.constant 1 : i32
        %add3A_652 = arith.addi %mul3A_650, %add3A_651 : i32
        %get3A_653 = arith.index_cast %add3A_652 : i32 to index
        %get3A_654 = arith.constant 48 : index
        %get3A_655 = tpu.vector_load %arg7[%get3A_653, %get3A_654] {strides = array<i32>} : memref<200x128xf32, #tpu.memory_space<vmem>>, vector<1x16xf32>,
        %get3A_656 = vector.shape_cast %get3A_655 : vector<1x16xf32> to vector<16xf32>
        %add3A_657 = arith.addf %add3A_648, %get3A_656 : vector<16xf32>
        %mul3A_658 = arith.constant 8 : i32
        %mul3A_659 = arith.muli %scan3A_420, %mul3A_658 : i32
        %add3A_660 = arith.constant 2 : i32
        %add3A_661 = arith.addi %mul3A_659, %add3A_660 : i32
        %get3A_662 = arith.index_cast %add3A_661 : i32 to index
        %get3A_663 = arith.constant 48 : index
        %get3A_664 = tpu.vector_load %arg7[%get3A_662, %get3A_663] {strides = array<i32>} : memref<200x128xf32, #tpu.memory_space<vmem>>, vector<1x16xf32>,
        %get3A_665 = vector.shape_cast %get3A_664 : vector<1x16xf32> to vector<16xf32>
        %add3A_666 = arith.addf %add3A_657, %get3A_665 : vector<16xf32>
        %mul3A_667 = arith.constant 8 : i32
        %mul3A_668 = arith.muli %scan3A_420, %mul3A_667 : i32
        %add3A_669 = arith.constant 3 : i32
        %add3A_670 = arith.addi %mul3A_668, %add3A_669 : i32
        %get3A_671 = arith.index_cast %add3A_670 : i32 to index
        %get3A_672 = arith.constant 48 : index
        %get3A_673 = tpu.vector_load %arg7[%get3A_671, %get3A_672] {strides = array<i32>} : memref<200x128xf32, #tpu.memory_space<vmem>>, vector<1x16xf32>,
        %get3A_674 = vector.shape_cast %get3A_673 : vector<1x16xf32> to vector<16xf32>
        %add3A_675 = arith.addf %add3A_666, %get3A_674 : vector<16xf32>
        %mul3A_676 = arith.constant 8 : i32
        %mul3A_677 = arith.muli %scan3A_420, %mul3A_676 : i32
        %add3A_678 = arith.constant 4 : i32
        %add3A_679 = arith.addi %mul3A_677, %add3A_678 : i32
        %get3A_680 = arith.index_cast %add3A_679 : i32 to index
        %get3A_681 = arith.constant 48 : index
        %get3A_682 = tpu.vector_load %arg7[%get3A_680, %get3A_681] {strides = array<i32>} : memref<200x128xf32, #tpu.memory_space<vmem>>, vector<1x16xf32>,
        %get3A_683 = vector.shape_cast %get3A_682 : vector<1x16xf32> to vector<16xf32>
        %add3A_684 = arith.addf %add3A_675, %get3A_683 : vector<16xf32>
        %mul3A_685 = arith.constant 8 : i32
        %mul3A_686 = arith.muli %scan3A_420, %mul3A_685 : i32
        %add3A_687 = arith.constant 5 : i32
        %add3A_688 = arith.addi %mul3A_686, %add3A_687 : i32
        %get3A_689 = arith.index_cast %add3A_688 : i32 to index
        %get3A_690 = arith.constant 48 : index
        %get3A_691 = tpu.vector_load %arg7[%get3A_689, %get3A_690] {strides = array<i32>} : memref<200x128xf32, #tpu.memory_space<vmem>>, vector<1x16xf32>,
        %get3A_692 = vector.shape_cast %get3A_691 : vector<1x16xf32> to vector<16xf32>
        %add3A_693 = arith.addf %add3A_684, %get3A_692 : vector<16xf32>
        %mul3A_694 = arith.constant 8 : i32
        %mul3A_695 = arith.muli %scan3A_420, %mul3A_694 : i32
        %add3A_696 = arith.constant 6 : i32
        %add3A_697 = arith.addi %mul3A_695, %add3A_696 : i32
        %get3A_698 = arith.index_cast %add3A_697 : i32 to index
        %get3A_699 = arith.constant 48 : index
        %get3A_700 = tpu.vector_load %arg7[%get3A_698, %get3A_699] {strides = array<i32>} : memref<200x128xf32, #tpu.memory_space<vmem>>, vector<1x16xf32>,
        %get3A_701 = vector.shape_cast %get3A_700 : vector<1x16xf32> to vector<16xf32>
        %add3A_702 = arith.addf %add3A_693, %get3A_701 : vector<16xf32>
        %mul3A_703 = arith.constant 8 : i32
        %mul3A_704 = arith.muli %scan3A_420, %mul3A_703 : i32
        %add3A_705 = arith.constant 7 : i32
        %add3A_706 = arith.addi %mul3A_704, %add3A_705 : i32
        %get3A_707 = arith.index_cast %add3A_706 : i32 to index
        %get3A_708 = arith.constant 48 : index
        %get3A_709 = tpu.vector_load %arg7[%get3A_707, %get3A_708] {strides = array<i32>} : memref<200x128xf32, #tpu.memory_space<vmem>>, vector<1x16xf32>,
        %get3A_710 = vector.shape_cast %get3A_709 : vector<1x16xf32> to vector<16xf32>
        %add3A_711 = arith.addf %add3A_702, %get3A_710 : vector<16xf32>
        scf.yield %add3A_495, %add3A_567, %add3A_639, %add3A_711 : vector<16xf32>, vector<16xf32>, vector<16xf32>, vector<16xf32>
      }
      %scan3A_223 = arith.constant 25 : i32
      %mul3A_224 = arith.constant 5.000000e-03 : f32
      %mul3A_225 = vector.broadcast %mul3A_224 : f32 to vector<16xf32>
      %mul3A_226 = arith.mulf %scan3A_222#0, %mul3A_225 : vector<16xf32>
      %swap3A_227 = arith.index_cast %mul3A_177 : i32 to index
      %swap3A_228 = arith.constant 0 : index
      %swap3A_229 = tpu.vector_load %arg10[%swap3A_227, %swap3A_228] {strides = array<i32>} : memref<128x128xf32, #tpu.memory_space<vmem>>, vector<1x16xf32>,
      %swap3A_230 = vector.shape_cast %swap3A_229 : vector<1x16xf32> to vector<16xf32>
      %swap3A_231 = vector.shape_cast %mul3A_226 : vector<16xf32> to vector<1x16xf32>
      tpu.vector_store %arg10[%swap3A_227, %swap3A_228], %swap3A_231 {strides = array<i32>} : memref<128x128xf32, #tpu.memory_space<vmem>>, vector<1x16xf32>,
      %mul3A_232 = arith.constant 5.000000e-03 : f32
      %mul3A_233 = vector.broadcast %mul3A_232 : f32 to vector<16xf32>
      %mul3A_234 = arith.mulf %scan3A_222#1, %mul3A_233 : vector<16xf32>
      %swap3A_235 = arith.index_cast %mul3A_177 : i32 to index
      %swap3A_236 = arith.constant 16 : index
      %swap3A_237 = tpu.vector_load %arg10[%swap3A_235, %swap3A_236] {strides = array<i32>} : memref<128x128xf32, #tpu.memory_space<vmem>>, vector<1x16xf32>,
      %swap3A_238 = vector.shape_cast %swap3A_237 : vector<1x16xf32> to vector<16xf32>
      %swap3A_239 = vector.shape_cast %mul3A_234 : vector<16xf32> to vector<1x16xf32>
      tpu.vector_store %arg10[%swap3A_235, %swap3A_236], %swap3A_239 {strides = array<i32>} : memref<128x128xf32, #tpu.memory_space<vmem>>, vector<1x16xf32>,
      %mul3A_240 = arith.constant 5.000000e-03 : f32
      %mul3A_241 = vector.broadcast %mul3A_240 : f32 to vector<16xf32>
      %mul3A_242 = arith.mulf %scan3A_222#2, %mul3A_241 : vector<16xf32>
      %swap3A_243 = arith.index_cast %mul3A_177 : i32 to index
      %swap3A_244 = arith.constant 32 : index
      %swap3A_245 = tpu.vector_load %arg10[%swap3A_243, %swap3A_244] {strides = array<i32>} : memref<128x128xf32, #tpu.memory_space<vmem>>, vector<1x16xf32>,
      %swap3A_246 = vector.shape_cast %swap3A_245 : vector<1x16xf32> to vector<16xf32>
      %swap3A_247 = vector.shape_cast %mul3A_242 : vector<16xf32> to vector<1x16xf32>
      tpu.vector_store %arg10[%swap3A_243, %swap3A_244], %swap3A_247 {strides = array<i32>} : memref<128x128xf32, #tpu.memory_space<vmem>>, vector<1x16xf32>,
      %mul3A_248 = arith.constant 5.000000e-03 : f32
      %mul3A_249 = vector.broadcast %mul3A_248 : f32 to vector<16xf32>
      %mul3A_250 = arith.mulf %scan3A_222#3, %mul3A_249 : vector<16xf32>
      %swap3A_251 = arith.index_cast %mul3A_177 : i32 to index
      %swap3A_252 = arith.constant 48 : index
      %swap3A_253 = tpu.vector_load %arg10[%swap3A_251, %swap3A_252] {strides = array<i32>} : memref<128x128xf32, #tpu.memory_space<vmem>>, vector<1x16xf32>,
      %swap3A_254 = vector.shape_cast %swap3A_253 : vector<1x16xf32> to vector<16xf32>
      %swap3A_255 = vector.shape_cast %mul3A_250 : vector<16xf32> to vector<1x16xf32>
      tpu.vector_store %arg10[%swap3A_251, %swap3A_252], %swap3A_255 {strides = array<i32>} : memref<128x128xf32, #tpu.memory_space<vmem>>, vector<1x16xf32>,
      %add3A_256 = arith.constant 3 : i32
      %add3A_257 = arith.addi %mul3A_177, %add3A_256 : i32
      %dma_start3A_258 = arith.constant 0 : i32
      %dma_start3A_259 = arith.constant 0 : i32
      %dma_start3A_260 = tpu.memref_slice %arg7[%dma_start3A_258, %dma_start3A_259] : memref<200x128xf32, #tpu.memory_space<vmem>> -> memref<128x128xf32, #tpu.memory_space<vmem>>
      %dma_start3A_261 = arith.constant 0 : i32
      %dma_start3A_262 = tpu.memref_slice %arg5[%add3A_257, %dma_start3A_261] : memref<128x128xi32, #tpu.memory_space<vmem>> -> memref<1x128xi32, #tpu.memory_space<vmem>>
      %dma_start3A_263 = tpu.memref_squeeze %dma_start3A_262 : memref<1x128xi32, #tpu.memory_space<vmem>> -> memref<128xi32, #tpu.memory_space<vmem>>
      %dma_start3A_264 = arith.constant 0 : i32
      %dma_start3A_265 = arith.constant 0 : i32
      %dma_start3A_266 = tpu.memref_slice %arg3[%dma_start3A_264, %dma_start3A_265] : memref<1000000x128xf32, #tpu.memory_space<hbm>> -> memref<1000000x128xf32, #tpu.memory_space<hbm>>
      tpu.enqueue_indirect_dma source(%dma_start3A_266 : memref<1000000x128xf32, #tpu.memory_space<hbm>>) target(%dma_start3A_260 : memref<128x128xf32, #tpu.memory_space<vmem>>) offsets(%dma_start3A_263 : memref<128xi32, #tpu.memory_space<vmem>>) semaphore(%arg11 : memref<!tpu.dma_semaphore, #tpu.memory_space<semaphore_mem>>)
      %dma_start3A_267 = arith.constant 128 : i32
      %dma_start3A_268 = arith.constant 0 : i32
      %dma_start3A_269 = tpu.memref_slice %arg7[%dma_start3A_267, %dma_start3A_268] : memref<200x128xf32, #tpu.memory_space<vmem>> -> memref<72x128xf32, #tpu.memory_space<vmem>>
      %dma_start3A_270 = arith.constant 0 : i32
      %dma_start3A_271 = tpu.memref_slice %arg6[%add3A_257, %dma_start3A_270] : memref<128x128xi32, #tpu.memory_space<vmem>> -> memref<1x72xi32, #tpu.memory_space<vmem>>
      %dma_start3A_272 = tpu.memref_squeeze %dma_start3A_271 : memref<1x72xi32, #tpu.memory_space<vmem>> -> memref<72xi32, #tpu.memory_space<vmem>>
      %dma_start3A_273 = arith.constant 0 : i32
      %dma_start3A_274 = arith.constant 0 : i32
      %dma_start3A_275 = tpu.memref_slice %arg3[%dma_start3A_273, %dma_start3A_274] : memref<1000000x128xf32, #tpu.memory_space<hbm>> -> memref<1000000x128xf32, #tpu.memory_space<hbm>>
      tpu.enqueue_indirect_dma source(%dma_start3A_275 : memref<1000000x128xf32, #tpu.memory_space<hbm>>) target(%dma_start3A_269 : memref<72x128xf32, #tpu.memory_space<vmem>>) offsets(%dma_start3A_272 : memref<72xi32, #tpu.memory_space<vmem>>) semaphore(%arg11 : memref<!tpu.dma_semaphore, #tpu.memory_space<semaphore_mem>>)
      %add3A_276 = arith.constant 1 : i32
      %add3A_277 = arith.addi %mul3A_177, %add3A_276 : i32
      %dma_wait3A_278 = arith.constant 0 : i32
      %dma_wait3A_279 = arith.constant 0 : i32
      %dma_wait3A_280 = tpu.memref_slice %arg8[%dma_wait3A_278, %dma_wait3A_279] : memref<200x128xf32, #tpu.memory_space<vmem>> -> memref<128x128xf32, #tpu.memory_space<vmem>>
      %dma_wait3A_281 = arith.constant 0 : i32
      %dma_wait3A_282 = tpu.memref_slice %arg5[%add3A_277, %dma_wait3A_281] : memref<128x128xi32, #tpu.memory_space<vmem>> -> memref<1x128xi32, #tpu.memory_space<vmem>>
      %dma_wait3A_283 = tpu.memref_squeeze %dma_wait3A_282 : memref<1x128xi32, #tpu.memory_space<vmem>> -> memref<128xi32, #tpu.memory_space<vmem>>
      %dma_wait3A_284 = arith.constant 0 : i32
      %dma_wait3A_285 = arith.constant 0 : i32
      %dma_wait3A_286 = tpu.memref_slice %arg3[%dma_wait3A_284, %dma_wait3A_285] : memref<1000000x128xf32, #tpu.memory_space<hbm>> -> memref<1000000x128xf32, #tpu.memory_space<hbm>>
      tpu.wait_indirect_dma semaphore(%arg11 : memref<!tpu.dma_semaphore, #tpu.memory_space<semaphore_mem>>) src(%dma_wait3A_286 : memref<1000000x128xf32, #tpu.memory_space<hbm>>) dst(%dma_wait3A_280 : memref<128x128xf32, #tpu.memory_space<vmem>>)
      %dma_wait3A_287 = arith.constant 128 : i32
      %dma_wait3A_288 = arith.constant 0 : i32
      %dma_wait3A_289 = tpu.memref_slice %arg8[%dma_wait3A_287, %dma_wait3A_288] : memref<200x128xf32, #tpu.memory_space<vmem>> -> memref<72x128xf32, #tpu.memory_space<vmem>>
      %dma_wait3A_290 = arith.constant 0 : i32
      %dma_wait3A_291 = tpu.memref_slice %arg6[%add3A_277, %dma_wait3A_290] : memref<128x128xi32, #tpu.memory_space<vmem>> -> memref<1x72xi32, #tpu.memory_space<vmem>>
      %dma_wait3A_292 = tpu.memref_squeeze %dma_wait3A_291 : memref<1x72xi32, #tpu.memory_space<vmem>> -> memref<72xi32, #tpu.memory_space<vmem>>
      %dma_wait3A_293 = arith.constant 0 : i32
      %dma_wait3A_294 = arith.constant 0 : i32
      %dma_wait3A_295 = tpu.memref_slice %arg3[%dma_wait3A_293, %dma_wait3A_294] : memref<1000000x128xf32, #tpu.memory_space<hbm>> -> memref<1000000x128xf32, #tpu.memory_space<hbm>>
      tpu.wait_indirect_dma semaphore(%arg11 : memref<!tpu.dma_semaphore, #tpu.memory_space<semaphore_mem>>) src(%dma_wait3A_295 : memref<1000000x128xf32, #tpu.memory_space<hbm>>) dst(%dma_wait3A_289 : memref<72x128xf32, #tpu.memory_space<vmem>>)
      %add3A_296 = arith.constant 1 : i32
      %add3A_297 = arith.addi %mul3A_177, %add3A_296 : i32
      %broadcast_in_dim3A_298 = arith.constant 0.000000e+00 : f32
      %broadcast_in_dim3A_299 = vector.broadcast %broadcast_in_dim3A_298 : f32 to vector<16xf32>
      %scan3A_300 = arith.constant 0 : i32
      %scan3A_301 = arith.constant 25 : i32
      %scan3A_302 = arith.addi %scan3A_300, %scan3A_301 : i32
      %scan3A_303 = arith.constant 1 : i32
      %scan3A_304:4 = scf.for %scan3A_420 = %scan3A_300 to %scan3A_302 step %scan3A_303 iter_args(%scan3A_421 = %broadcast_in_dim3A_299, %scan3A_422 = %broadcast_in_dim3A_299, %scan3A_423 = %broadcast_in_dim3A_299, %scan3A_424 = %broadcast_in_dim3A_299) -> (vector<16xf32>, vector<16xf32>, vector<16xf32>, vector<16xf32>)  : i32 {
        %mul3A_425 = arith.constant 8 : i32
        %mul3A_426 = arith.muli %scan3A_420, %mul3A_425 : i32
        %add3A_427 = arith.constant 0 : i32
        %add3A_428 = arith.addi %mul3A_426, %add3A_427 : i32
        %get3A = arith.index_cast %add3A_428 : i32 to index
        %get3A_429 = arith.constant 0 : index
        %get3A_430 = tpu.vector_load %arg8[%get3A, %get3A_429] {strides = array<i32>} : memref<200x128xf32, #tpu.memory_space<vmem>>, vector<1x16xf32>,
        %get3A_431 = vector.shape_cast %get3A_430 : vector<1x16xf32> to vector<16xf32>
        %add3A_432 = arith.addf %scan3A_421, %get3A_431 : vector<16xf32>
        %mul3A_433 = arith.constant 8 : i32
        %mul3A_434 = arith.muli %scan3A_420, %mul3A_433 : i32
        %add3A_435 = arith.constant 1 : i32
        %add3A_436 = arith.addi %mul3A_434, %add3A_435 : i32
        %get3A_437 = arith.index_cast %add3A_436 : i32 to index
        %get3A_438 = arith.constant 0 : index
        %get3A_439 = tpu.vector_load %arg8[%get3A_437, %get3A_438] {strides = array<i32>} : memref<200x128xf32, #tpu.memory_space<vmem>>, vector<1x16xf32>,
        %get3A_440 = vector.shape_cast %get3A_439 : vector<1x16xf32> to vector<16xf32>
        %add3A_441 = arith.addf %add3A_432, %get3A_440 : vector<16xf32>
        %mul3A_442 = arith.constant 8 : i32
        %mul3A_443 = arith.muli %scan3A_420, %mul3A_442 : i32
        %add3A_444 = arith.constant 2 : i32
        %add3A_445 = arith.addi %mul3A_443, %add3A_444 : i32
        %get3A_446 = arith.index_cast %add3A_445 : i32 to index
        %get3A_447 = arith.constant 0 : index
        %get3A_448 = tpu.vector_load %arg8[%get3A_446, %get3A_447] {strides = array<i32>} : memref<200x128xf32, #tpu.memory_space<vmem>>, vector<1x16xf32>,
        %get3A_449 = vector.shape_cast %get3A_448 : vector<1x16xf32> to vector<16xf32>
        %add3A_450 = arith.addf %add3A_441, %get3A_449 : vector<16xf32>
        %mul3A_451 = arith.constant 8 : i32
        %mul3A_452 = arith.muli %scan3A_420, %mul3A_451 : i32
        %add3A_453 = arith.constant 3 : i32
        %add3A_454 = arith.addi %mul3A_452, %add3A_453 : i32
        %get3A_455 = arith.index_cast %add3A_454 : i32 to index
        %get3A_456 = arith.constant 0 : index
        %get3A_457 = tpu.vector_load %arg8[%get3A_455, %get3A_456] {strides = array<i32>} : memref<200x128xf32, #tpu.memory_space<vmem>>, vector<1x16xf32>,
        %get3A_458 = vector.shape_cast %get3A_457 : vector<1x16xf32> to vector<16xf32>
        %add3A_459 = arith.addf %add3A_450, %get3A_458 : vector<16xf32>
        %mul3A_460 = arith.constant 8 : i32
        %mul3A_461 = arith.muli %scan3A_420, %mul3A_460 : i32
        %add3A_462 = arith.constant 4 : i32
        %add3A_463 = arith.addi %mul3A_461, %add3A_462 : i32
        %get3A_464 = arith.index_cast %add3A_463 : i32 to index
        %get3A_465 = arith.constant 0 : index
        %get3A_466 = tpu.vector_load %arg8[%get3A_464, %get3A_465] {strides = array<i32>} : memref<200x128xf32, #tpu.memory_space<vmem>>, vector<1x16xf32>,
        %get3A_467 = vector.shape_cast %get3A_466 : vector<1x16xf32> to vector<16xf32>
        %add3A_468 = arith.addf %add3A_459, %get3A_467 : vector<16xf32>
        %mul3A_469 = arith.constant 8 : i32
        %mul3A_470 = arith.muli %scan3A_420, %mul3A_469 : i32
        %add3A_471 = arith.constant 5 : i32
        %add3A_472 = arith.addi %mul3A_470, %add3A_471 : i32
        %get3A_473 = arith.index_cast %add3A_472 : i32 to index
        %get3A_474 = arith.constant 0 : index
        %get3A_475 = tpu.vector_load %arg8[%get3A_473, %get3A_474] {strides = array<i32>} : memref<200x128xf32, #tpu.memory_space<vmem>>, vector<1x16xf32>,
        %get3A_476 = vector.shape_cast %get3A_475 : vector<1x16xf32> to vector<16xf32>
        %add3A_477 = arith.addf %add3A_468, %get3A_476 : vector<16xf32>
        %mul3A_478 = arith.constant 8 : i32
        %mul3A_479 = arith.muli %scan3A_420, %mul3A_478 : i32
        %add3A_480 = arith.constant 6 : i32
        %add3A_481 = arith.addi %mul3A_479, %add3A_480 : i32
        %get3A_482 = arith.index_cast %add3A_481 : i32 to index
        %get3A_483 = arith.constant 0 : index
        %get3A_484 = tpu.vector_load %arg8[%get3A_482, %get3A_483] {strides = array<i32>} : memref<200x128xf32, #tpu.memory_space<vmem>>, vector<1x16xf32>,
        %get3A_485 = vector.shape_cast %get3A_484 : vector<1x16xf32> to vector<16xf32>
        %add3A_486 = arith.addf %add3A_477, %get3A_485 : vector<16xf32>
        %mul3A_487 = arith.constant 8 : i32
        %mul3A_488 = arith.muli %scan3A_420, %mul3A_487 : i32
        %add3A_489 = arith.constant 7 : i32
        %add3A_490 = arith.addi %mul3A_488, %add3A_489 : i32
        %get3A_491 = arith.index_cast %add3A_490 : i32 to index
        %get3A_492 = arith.constant 0 : index
        %get3A_493 = tpu.vector_load %arg8[%get3A_491, %get3A_492] {strides = array<i32>} : memref<200x128xf32, #tpu.memory_space<vmem>>, vector<1x16xf32>,
        %get3A_494 = vector.shape_cast %get3A_493 : vector<1x16xf32> to vector<16xf32>
        %add3A_495 = arith.addf %add3A_486, %get3A_494 : vector<16xf32>
        %mul3A_496 = arith.constant 8 : i32
        %mul3A_497 = arith.muli %scan3A_420, %mul3A_496 : i32
        %add3A_498 = arith.constant 0 : i32
        %add3A_499 = arith.addi %mul3A_497, %add3A_498 : i32
        %get3A_500 = arith.index_cast %add3A_499 : i32 to index
        %get3A_501 = arith.constant 16 : index
        %get3A_502 = tpu.vector_load %arg8[%get3A_500, %get3A_501] {strides = array<i32>} : memref<200x128xf32, #tpu.memory_space<vmem>>, vector<1x16xf32>,
        %get3A_503 = vector.shape_cast %get3A_502 : vector<1x16xf32> to vector<16xf32>
        %add3A_504 = arith.addf %scan3A_422, %get3A_503 : vector<16xf32>
        %mul3A_505 = arith.constant 8 : i32
        %mul3A_506 = arith.muli %scan3A_420, %mul3A_505 : i32
        %add3A_507 = arith.constant 1 : i32
        %add3A_508 = arith.addi %mul3A_506, %add3A_507 : i32
        %get3A_509 = arith.index_cast %add3A_508 : i32 to index
        %get3A_510 = arith.constant 16 : index
        %get3A_511 = tpu.vector_load %arg8[%get3A_509, %get3A_510] {strides = array<i32>} : memref<200x128xf32, #tpu.memory_space<vmem>>, vector<1x16xf32>,
        %get3A_512 = vector.shape_cast %get3A_511 : vector<1x16xf32> to vector<16xf32>
        %add3A_513 = arith.addf %add3A_504, %get3A_512 : vector<16xf32>
        %mul3A_514 = arith.constant 8 : i32
        %mul3A_515 = arith.muli %scan3A_420, %mul3A_514 : i32
        %add3A_516 = arith.constant 2 : i32
        %add3A_517 = arith.addi %mul3A_515, %add3A_516 : i32
        %get3A_518 = arith.index_cast %add3A_517 : i32 to index
        %get3A_519 = arith.constant 16 : index
        %get3A_520 = tpu.vector_load %arg8[%get3A_518, %get3A_519] {strides = array<i32>} : memref<200x128xf32, #tpu.memory_space<vmem>>, vector<1x16xf32>,
        %get3A_521 = vector.shape_cast %get3A_520 : vector<1x16xf32> to vector<16xf32>
        %add3A_522 = arith.addf %add3A_513, %get3A_521 : vector<16xf32>
        %mul3A_523 = arith.constant 8 : i32
        %mul3A_524 = arith.muli %scan3A_420, %mul3A_523 : i32
        %add3A_525 = arith.constant 3 : i32
        %add3A_526 = arith.addi %mul3A_524, %add3A_525 : i32
        %get3A_527 = arith.index_cast %add3A_526 : i32 to index
        %get3A_528 = arith.constant 16 : index
        %get3A_529 = tpu.vector_load %arg8[%get3A_527, %get3A_528] {strides = array<i32>} : memref<200x128xf32, #tpu.memory_space<vmem>>, vector<1x16xf32>,
        %get3A_530 = vector.shape_cast %get3A_529 : vector<1x16xf32> to vector<16xf32>
        %add3A_531 = arith.addf %add3A_522, %get3A_530 : vector<16xf32>
        %mul3A_532 = arith.constant 8 : i32
        %mul3A_533 = arith.muli %scan3A_420, %mul3A_532 : i32
        %add3A_534 = arith.constant 4 : i32
        %add3A_535 = arith.addi %mul3A_533, %add3A_534 : i32
        %get3A_536 = arith.index_cast %add3A_535 : i32 to index
        %get3A_537 = arith.constant 16 : index
        %get3A_538 = tpu.vector_load %arg8[%get3A_536, %get3A_537] {strides = array<i32>} : memref<200x128xf32, #tpu.memory_space<vmem>>, vector<1x16xf32>,
        %get3A_539 = vector.shape_cast %get3A_538 : vector<1x16xf32> to vector<16xf32>
        %add3A_540 = arith.addf %add3A_531, %get3A_539 : vector<16xf32>
        %mul3A_541 = arith.constant 8 : i32
        %mul3A_542 = arith.muli %scan3A_420, %mul3A_541 : i32
        %add3A_543 = arith.constant 5 : i32
        %add3A_544 = arith.addi %mul3A_542, %add3A_543 : i32
        %get3A_545 = arith.index_cast %add3A_544 : i32 to index
        %get3A_546 = arith.constant 16 : index
        %get3A_547 = tpu.vector_load %arg8[%get3A_545, %get3A_546] {strides = array<i32>} : memref<200x128xf32, #tpu.memory_space<vmem>>, vector<1x16xf32>,
        %get3A_548 = vector.shape_cast %get3A_547 : vector<1x16xf32> to vector<16xf32>
        %add3A_549 = arith.addf %add3A_540, %get3A_548 : vector<16xf32>
        %mul3A_550 = arith.constant 8 : i32
        %mul3A_551 = arith.muli %scan3A_420, %mul3A_550 : i32
        %add3A_552 = arith.constant 6 : i32
        %add3A_553 = arith.addi %mul3A_551, %add3A_552 : i32
        %get3A_554 = arith.index_cast %add3A_553 : i32 to index
        %get3A_555 = arith.constant 16 : index
        %get3A_556 = tpu.vector_load %arg8[%get3A_554, %get3A_555] {strides = array<i32>} : memref<200x128xf32, #tpu.memory_space<vmem>>, vector<1x16xf32>,
        %get3A_557 = vector.shape_cast %get3A_556 : vector<1x16xf32> to vector<16xf32>
        %add3A_558 = arith.addf %add3A_549, %get3A_557 : vector<16xf32>
        %mul3A_559 = arith.constant 8 : i32
        %mul3A_560 = arith.muli %scan3A_420, %mul3A_559 : i32
        %add3A_561 = arith.constant 7 : i32
        %add3A_562 = arith.addi %mul3A_560, %add3A_561 : i32
        %get3A_563 = arith.index_cast %add3A_562 : i32 to index
        %get3A_564 = arith.constant 16 : index
        %get3A_565 = tpu.vector_load %arg8[%get3A_563, %get3A_564] {strides = array<i32>} : memref<200x128xf32, #tpu.memory_space<vmem>>, vector<1x16xf32>,
        %get3A_566 = vector.shape_cast %get3A_565 : vector<1x16xf32> to vector<16xf32>
        %add3A_567 = arith.addf %add3A_558, %get3A_566 : vector<16xf32>
        %mul3A_568 = arith.constant 8 : i32
        %mul3A_569 = arith.muli %scan3A_420, %mul3A_568 : i32
        %add3A_570 = arith.constant 0 : i32
        %add3A_571 = arith.addi %mul3A_569, %add3A_570 : i32
        %get3A_572 = arith.index_cast %add3A_571 : i32 to index
        %get3A_573 = arith.constant 32 : index
        %get3A_574 = tpu.vector_load %arg8[%get3A_572, %get3A_573] {strides = array<i32>} : memref<200x128xf32, #tpu.memory_space<vmem>>, vector<1x16xf32>,
        %get3A_575 = vector.shape_cast %get3A_574 : vector<1x16xf32> to vector<16xf32>
        %add3A_576 = arith.addf %scan3A_423, %get3A_575 : vector<16xf32>
        %mul3A_577 = arith.constant 8 : i32
        %mul3A_578 = arith.muli %scan3A_420, %mul3A_577 : i32
        %add3A_579 = arith.constant 1 : i32
        %add3A_580 = arith.addi %mul3A_578, %add3A_579 : i32
        %get3A_581 = arith.index_cast %add3A_580 : i32 to index
        %get3A_582 = arith.constant 32 : index
        %get3A_583 = tpu.vector_load %arg8[%get3A_581, %get3A_582] {strides = array<i32>} : memref<200x128xf32, #tpu.memory_space<vmem>>, vector<1x16xf32>,
        %get3A_584 = vector.shape_cast %get3A_583 : vector<1x16xf32> to vector<16xf32>
        %add3A_585 = arith.addf %add3A_576, %get3A_584 : vector<16xf32>
        %mul3A_586 = arith.constant 8 : i32
        %mul3A_587 = arith.muli %scan3A_420, %mul3A_586 : i32
        %add3A_588 = arith.constant 2 : i32
        %add3A_589 = arith.addi %mul3A_587, %add3A_588 : i32
        %get3A_590 = arith.index_cast %add3A_589 : i32 to index
        %get3A_591 = arith.constant 32 : index
        %get3A_592 = tpu.vector_load %arg8[%get3A_590, %get3A_591] {strides = array<i32>} : memref<200x128xf32, #tpu.memory_space<vmem>>, vector<1x16xf32>,
        %get3A_593 = vector.shape_cast %get3A_592 : vector<1x16xf32> to vector<16xf32>
        %add3A_594 = arith.addf %add3A_585, %get3A_593 : vector<16xf32>
        %mul3A_595 = arith.constant 8 : i32
        %mul3A_596 = arith.muli %scan3A_420, %mul3A_595 : i32
        %add3A_597 = arith.constant 3 : i32
        %add3A_598 = arith.addi %mul3A_596, %add3A_597 : i32
        %get3A_599 = arith.index_cast %add3A_598 : i32 to index
        %get3A_600 = arith.constant 32 : index
        %get3A_601 = tpu.vector_load %arg8[%get3A_599, %get3A_600] {strides = array<i32>} : memref<200x128xf32, #tpu.memory_space<vmem>>, vector<1x16xf32>,
        %get3A_602 = vector.shape_cast %get3A_601 : vector<1x16xf32> to vector<16xf32>
        %add3A_603 = arith.addf %add3A_594, %get3A_602 : vector<16xf32>
        %mul3A_604 = arith.constant 8 : i32
        %mul3A_605 = arith.muli %scan3A_420, %mul3A_604 : i32
        %add3A_606 = arith.constant 4 : i32
        %add3A_607 = arith.addi %mul3A_605, %add3A_606 : i32
        %get3A_608 = arith.index_cast %add3A_607 : i32 to index
        %get3A_609 = arith.constant 32 : index
        %get3A_610 = tpu.vector_load %arg8[%get3A_608, %get3A_609] {strides = array<i32>} : memref<200x128xf32, #tpu.memory_space<vmem>>, vector<1x16xf32>,
        %get3A_611 = vector.shape_cast %get3A_610 : vector<1x16xf32> to vector<16xf32>
        %add3A_612 = arith.addf %add3A_603, %get3A_611 : vector<16xf32>
        %mul3A_613 = arith.constant 8 : i32
        %mul3A_614 = arith.muli %scan3A_420, %mul3A_613 : i32
        %add3A_615 = arith.constant 5 : i32
        %add3A_616 = arith.addi %mul3A_614, %add3A_615 : i32
        %get3A_617 = arith.index_cast %add3A_616 : i32 to index
        %get3A_618 = arith.constant 32 : index
        %get3A_619 = tpu.vector_load %arg8[%get3A_617, %get3A_618] {strides = array<i32>} : memref<200x128xf32, #tpu.memory_space<vmem>>, vector<1x16xf32>,
        %get3A_620 = vector.shape_cast %get3A_619 : vector<1x16xf32> to vector<16xf32>
        %add3A_621 = arith.addf %add3A_612, %get3A_620 : vector<16xf32>
        %mul3A_622 = arith.constant 8 : i32
        %mul3A_623 = arith.muli %scan3A_420, %mul3A_622 : i32
        %add3A_624 = arith.constant 6 : i32
        %add3A_625 = arith.addi %mul3A_623, %add3A_624 : i32
        %get3A_626 = arith.index_cast %add3A_625 : i32 to index
        %get3A_627 = arith.constant 32 : index
        %get3A_628 = tpu.vector_load %arg8[%get3A_626, %get3A_627] {strides = array<i32>} : memref<200x128xf32, #tpu.memory_space<vmem>>, vector<1x16xf32>,
        %get3A_629 = vector.shape_cast %get3A_628 : vector<1x16xf32> to vector<16xf32>
        %add3A_630 = arith.addf %add3A_621, %get3A_629 : vector<16xf32>
        %mul3A_631 = arith.constant 8 : i32
        %mul3A_632 = arith.muli %scan3A_420, %mul3A_631 : i32
        %add3A_633 = arith.constant 7 : i32
        %add3A_634 = arith.addi %mul3A_632, %add3A_633 : i32
        %get3A_635 = arith.index_cast %add3A_634 : i32 to index
        %get3A_636 = arith.constant 32 : index
        %get3A_637 = tpu.vector_load %arg8[%get3A_635, %get3A_636] {strides = array<i32>} : memref<200x128xf32, #tpu.memory_space<vmem>>, vector<1x16xf32>,
        %get3A_638 = vector.shape_cast %get3A_637 : vector<1x16xf32> to vector<16xf32>
        %add3A_639 = arith.addf %add3A_630, %get3A_638 : vector<16xf32>
        %mul3A_640 = arith.constant 8 : i32
        %mul3A_641 = arith.muli %scan3A_420, %mul3A_640 : i32
        %add3A_642 = arith.constant 0 : i32
        %add3A_643 = arith.addi %mul3A_641, %add3A_642 : i32
        %get3A_644 = arith.index_cast %add3A_643 : i32 to index
        %get3A_645 = arith.constant 48 : index
        %get3A_646 = tpu.vector_load %arg8[%get3A_644, %get3A_645] {strides = array<i32>} : memref<200x128xf32, #tpu.memory_space<vmem>>, vector<1x16xf32>,
        %get3A_647 = vector.shape_cast %get3A_646 : vector<1x16xf32> to vector<16xf32>
        %add3A_648 = arith.addf %scan3A_424, %get3A_647 : vector<16xf32>
        %mul3A_649 = arith.constant 8 : i32
        %mul3A_650 = arith.muli %scan3A_420, %mul3A_649 : i32
        %add3A_651 = arith.constant 1 : i32
        %add3A_652 = arith.addi %mul3A_650, %add3A_651 : i32
        %get3A_653 = arith.index_cast %add3A_652 : i32 to index
        %get3A_654 = arith.constant 48 : index
        %get3A_655 = tpu.vector_load %arg8[%get3A_653, %get3A_654] {strides = array<i32>} : memref<200x128xf32, #tpu.memory_space<vmem>>, vector<1x16xf32>,
        %get3A_656 = vector.shape_cast %get3A_655 : vector<1x16xf32> to vector<16xf32>
        %add3A_657 = arith.addf %add3A_648, %get3A_656 : vector<16xf32>
        %mul3A_658 = arith.constant 8 : i32
        %mul3A_659 = arith.muli %scan3A_420, %mul3A_658 : i32
        %add3A_660 = arith.constant 2 : i32
        %add3A_661 = arith.addi %mul3A_659, %add3A_660 : i32
        %get3A_662 = arith.index_cast %add3A_661 : i32 to index
        %get3A_663 = arith.constant 48 : index
        %get3A_664 = tpu.vector_load %arg8[%get3A_662, %get3A_663] {strides = array<i32>} : memref<200x128xf32, #tpu.memory_space<vmem>>, vector<1x16xf32>,
        %get3A_665 = vector.shape_cast %get3A_664 : vector<1x16xf32> to vector<16xf32>
        %add3A_666 = arith.addf %add3A_657, %get3A_665 : vector<16xf32>
        %mul3A_667 = arith.constant 8 : i32
        %mul3A_668 = arith.muli %scan3A_420, %mul3A_667 : i32
        %add3A_669 = arith.constant 3 : i32
        %add3A_670 = arith.addi %mul3A_668, %add3A_669 : i32
        %get3A_671 = arith.index_cast %add3A_670 : i32 to index
        %get3A_672 = arith.constant 48 : index
        %get3A_673 = tpu.vector_load %arg8[%get3A_671, %get3A_672] {strides = array<i32>} : memref<200x128xf32, #tpu.memory_space<vmem>>, vector<1x16xf32>,
        %get3A_674 = vector.shape_cast %get3A_673 : vector<1x16xf32> to vector<16xf32>
        %add3A_675 = arith.addf %add3A_666, %get3A_674 : vector<16xf32>
        %mul3A_676 = arith.constant 8 : i32
        %mul3A_677 = arith.muli %scan3A_420, %mul3A_676 : i32
        %add3A_678 = arith.constant 4 : i32
        %add3A_679 = arith.addi %mul3A_677, %add3A_678 : i32
        %get3A_680 = arith.index_cast %add3A_679 : i32 to index
        %get3A_681 = arith.constant 48 : index
        %get3A_682 = tpu.vector_load %arg8[%get3A_680, %get3A_681] {strides = array<i32>} : memref<200x128xf32, #tpu.memory_space<vmem>>, vector<1x16xf32>,
        %get3A_683 = vector.shape_cast %get3A_682 : vector<1x16xf32> to vector<16xf32>
        %add3A_684 = arith.addf %add3A_675, %get3A_683 : vector<16xf32>
        %mul3A_685 = arith.constant 8 : i32
        %mul3A_686 = arith.muli %scan3A_420, %mul3A_685 : i32
        %add3A_687 = arith.constant 5 : i32
        %add3A_688 = arith.addi %mul3A_686, %add3A_687 : i32
        %get3A_689 = arith.index_cast %add3A_688 : i32 to index
        %get3A_690 = arith.constant 48 : index
        %get3A_691 = tpu.vector_load %arg8[%get3A_689, %get3A_690] {strides = array<i32>} : memref<200x128xf32, #tpu.memory_space<vmem>>, vector<1x16xf32>,
        %get3A_692 = vector.shape_cast %get3A_691 : vector<1x16xf32> to vector<16xf32>
        %add3A_693 = arith.addf %add3A_684, %get3A_692 : vector<16xf32>
        %mul3A_694 = arith.constant 8 : i32
        %mul3A_695 = arith.muli %scan3A_420, %mul3A_694 : i32
        %add3A_696 = arith.constant 6 : i32
        %add3A_697 = arith.addi %mul3A_695, %add3A_696 : i32
        %get3A_698 = arith.index_cast %add3A_697 : i32 to index
        %get3A_699 = arith.constant 48 : index
        %get3A_700 = tpu.vector_load %arg8[%get3A_698, %get3A_699] {strides = array<i32>} : memref<200x128xf32, #tpu.memory_space<vmem>>, vector<1x16xf32>,
        %get3A_701 = vector.shape_cast %get3A_700 : vector<1x16xf32> to vector<16xf32>
        %add3A_702 = arith.addf %add3A_693, %get3A_701 : vector<16xf32>
        %mul3A_703 = arith.constant 8 : i32
        %mul3A_704 = arith.muli %scan3A_420, %mul3A_703 : i32
        %add3A_705 = arith.constant 7 : i32
        %add3A_706 = arith.addi %mul3A_704, %add3A_705 : i32
        %get3A_707 = arith.index_cast %add3A_706 : i32 to index
        %get3A_708 = arith.constant 48 : index
        %get3A_709 = tpu.vector_load %arg8[%get3A_707, %get3A_708] {strides = array<i32>} : memref<200x128xf32, #tpu.memory_space<vmem>>, vector<1x16xf32>,
        %get3A_710 = vector.shape_cast %get3A_709 : vector<1x16xf32> to vector<16xf32>
        %add3A_711 = arith.addf %add3A_702, %get3A_710 : vector<16xf32>
        scf.yield %add3A_495, %add3A_567, %add3A_639, %add3A_711 : vector<16xf32>, vector<16xf32>, vector<16xf32>, vector<16xf32>
      }
      %scan3A_305 = arith.constant 25 : i32
      %mul3A_306 = arith.constant 5.000000e-03 : f32
      %mul3A_307 = vector.broadcast %mul3A_306 : f32 to vector<16xf32>
      %mul3A_308 = arith.mulf %scan3A_304#0, %mul3A_307 : vector<16xf32>
      %swap3A_309 = arith.index_cast %add3A_297 : i32 to index
      %swap3A_310 = arith.constant 0 : index
      %swap3A_311 = tpu.vector_load %arg10[%swap3A_309, %swap3A_310] {strides = array<i32>} : memref<128x128xf32, #tpu.memory_space<vmem>>, vector<1x16xf32>,
      %swap3A_312 = vector.shape_cast %swap3A_311 : vector<1x16xf32> to vector<16xf32>
      %swap3A_313 = vector.shape_cast %mul3A_308 : vector<16xf32> to vector<1x16xf32>
      tpu.vector_store %arg10[%swap3A_309, %swap3A_310], %swap3A_313 {strides = array<i32>} : memref<128x128xf32, #tpu.memory_space<vmem>>, vector<1x16xf32>,
      %mul3A_314 = arith.constant 5.000000e-03 : f32
      %mul3A_315 = vector.broadcast %mul3A_314 : f32 to vector<16xf32>
      %mul3A_316 = arith.mulf %scan3A_304#1, %mul3A_315 : vector<16xf32>
      %swap3A_317 = arith.index_cast %add3A_297 : i32 to index
      %swap3A_318 = arith.constant 16 : index
      %swap3A_319 = tpu.vector_load %arg10[%swap3A_317, %swap3A_318] {strides = array<i32>} : memref<128x128xf32, #tpu.memory_space<vmem>>, vector<1x16xf32>,
      %swap3A_320 = vector.shape_cast %swap3A_319 : vector<1x16xf32> to vector<16xf32>
      %swap3A_321 = vector.shape_cast %mul3A_316 : vector<16xf32> to vector<1x16xf32>
      tpu.vector_store %arg10[%swap3A_317, %swap3A_318], %swap3A_321 {strides = array<i32>} : memref<128x128xf32, #tpu.memory_space<vmem>>, vector<1x16xf32>,
      %mul3A_322 = arith.constant 5.000000e-03 : f32
      %mul3A_323 = vector.broadcast %mul3A_322 : f32 to vector<16xf32>
      %mul3A_324 = arith.mulf %scan3A_304#2, %mul3A_323 : vector<16xf32>
      %swap3A_325 = arith.index_cast %add3A_297 : i32 to index
      %swap3A_326 = arith.constant 32 : index
      %swap3A_327 = tpu.vector_load %arg10[%swap3A_325, %swap3A_326] {strides = array<i32>} : memref<128x128xf32, #tpu.memory_space<vmem>>, vector<1x16xf32>,
      %swap3A_328 = vector.shape_cast %swap3A_327 : vector<1x16xf32> to vector<16xf32>
      %swap3A_329 = vector.shape_cast %mul3A_324 : vector<16xf32> to vector<1x16xf32>
      tpu.vector_store %arg10[%swap3A_325, %swap3A_326], %swap3A_329 {strides = array<i32>} : memref<128x128xf32, #tpu.memory_space<vmem>>, vector<1x16xf32>,
      %mul3A_330 = arith.constant 5.000000e-03 : f32
      %mul3A_331 = vector.broadcast %mul3A_330 : f32 to vector<16xf32>
      %mul3A_332 = arith.mulf %scan3A_304#3, %mul3A_331 : vector<16xf32>
      %swap3A_333 = arith.index_cast %add3A_297 : i32 to index
      %swap3A_334 = arith.constant 48 : index
      %swap3A_335 = tpu.vector_load %arg10[%swap3A_333, %swap3A_334] {strides = array<i32>} : memref<128x128xf32, #tpu.memory_space<vmem>>, vector<1x16xf32>,
      %swap3A_336 = vector.shape_cast %swap3A_335 : vector<1x16xf32> to vector<16xf32>
      %swap3A_337 = vector.shape_cast %mul3A_332 : vector<16xf32> to vector<1x16xf32>
      tpu.vector_store %arg10[%swap3A_333, %swap3A_334], %swap3A_337 {strides = array<i32>} : memref<128x128xf32, #tpu.memory_space<vmem>>, vector<1x16xf32>,
      %add3A_338 = arith.constant 4 : i32
      %add3A_339 = arith.addi %mul3A_177, %add3A_338 : i32
      %dma_start3A_340 = arith.constant 0 : i32
      %dma_start3A_341 = arith.constant 0 : i32
      %dma_start3A_342 = tpu.memref_slice %arg8[%dma_start3A_340, %dma_start3A_341] : memref<200x128xf32, #tpu.memory_space<vmem>> -> memref<128x128xf32, #tpu.memory_space<vmem>>
      %dma_start3A_343 = arith.constant 0 : i32
      %dma_start3A_344 = tpu.memref_slice %arg5[%add3A_339, %dma_start3A_343] : memref<128x128xi32, #tpu.memory_space<vmem>> -> memref<1x128xi32, #tpu.memory_space<vmem>>
      %dma_start3A_345 = tpu.memref_squeeze %dma_start3A_344 : memref<1x128xi32, #tpu.memory_space<vmem>> -> memref<128xi32, #tpu.memory_space<vmem>>
      %dma_start3A_346 = arith.constant 0 : i32
      %dma_start3A_347 = arith.constant 0 : i32
      %dma_start3A_348 = tpu.memref_slice %arg3[%dma_start3A_346, %dma_start3A_347] : memref<1000000x128xf32, #tpu.memory_space<hbm>> -> memref<1000000x128xf32, #tpu.memory_space<hbm>>
      tpu.enqueue_indirect_dma source(%dma_start3A_348 : memref<1000000x128xf32, #tpu.memory_space<hbm>>) target(%dma_start3A_342 : memref<128x128xf32, #tpu.memory_space<vmem>>) offsets(%dma_start3A_345 : memref<128xi32, #tpu.memory_space<vmem>>) semaphore(%arg11 : memref<!tpu.dma_semaphore, #tpu.memory_space<semaphore_mem>>)
      %dma_start3A_349 = arith.constant 128 : i32
      %dma_start3A_350 = arith.constant 0 : i32
      %dma_start3A_351 = tpu.memref_slice %arg8[%dma_start3A_349, %dma_start3A_350] : memref<200x128xf32, #tpu.memory_space<vmem>> -> memref<72x128xf32, #tpu.memory_space<vmem>>
      %dma_start3A_352 = arith.constant 0 : i32
      %dma_start3A_353 = tpu.memref_slice %arg6[%add3A_339, %dma_start3A_352] : memref<128x128xi32, #tpu.memory_space<vmem>> -> memref<1x72xi32, #tpu.memory_space<vmem>>
      %dma_start3A_354 = tpu.memref_squeeze %dma_start3A_353 : memref<1x72xi32, #tpu.memory_space<vmem>> -> memref<72xi32, #tpu.memory_space<vmem>>
      %dma_start3A_355 = arith.constant 0 : i32
      %dma_start3A_356 = arith.constant 0 : i32
      %dma_start3A_357 = tpu.memref_slice %arg3[%dma_start3A_355, %dma_start3A_356] : memref<1000000x128xf32, #tpu.memory_space<hbm>> -> memref<1000000x128xf32, #tpu.memory_space<hbm>>
      tpu.enqueue_indirect_dma source(%dma_start3A_357 : memref<1000000x128xf32, #tpu.memory_space<hbm>>) target(%dma_start3A_351 : memref<72x128xf32, #tpu.memory_space<vmem>>) offsets(%dma_start3A_354 : memref<72xi32, #tpu.memory_space<vmem>>) semaphore(%arg11 : memref<!tpu.dma_semaphore, #tpu.memory_space<semaphore_mem>>)
      %add3A_358 = arith.constant 2 : i32
      %add3A_359 = arith.addi %mul3A_177, %add3A_358 : i32
      %dma_wait3A_360 = arith.constant 0 : i32
      %dma_wait3A_361 = arith.constant 0 : i32
      %dma_wait3A_362 = tpu.memref_slice %arg9[%dma_wait3A_360, %dma_wait3A_361] : memref<200x128xf32, #tpu.memory_space<vmem>> -> memref<128x128xf32, #tpu.memory_space<vmem>>
      %dma_wait3A_363 = arith.constant 0 : i32
      %dma_wait3A_364 = tpu.memref_slice %arg5[%add3A_359, %dma_wait3A_363] : memref<128x128xi32, #tpu.memory_space<vmem>> -> memref<1x128xi32, #tpu.memory_space<vmem>>
      %dma_wait3A_365 = tpu.memref_squeeze %dma_wait3A_364 : memref<1x128xi32, #tpu.memory_space<vmem>> -> memref<128xi32, #tpu.memory_space<vmem>>
      %dma_wait3A_366 = arith.constant 0 : i32
      %dma_wait3A_367 = arith.constant 0 : i32
      %dma_wait3A_368 = tpu.memref_slice %arg3[%dma_wait3A_366, %dma_wait3A_367] : memref<1000000x128xf32, #tpu.memory_space<hbm>> -> memref<1000000x128xf32, #tpu.memory_space<hbm>>
      tpu.wait_indirect_dma semaphore(%arg11 : memref<!tpu.dma_semaphore, #tpu.memory_space<semaphore_mem>>) src(%dma_wait3A_368 : memref<1000000x128xf32, #tpu.memory_space<hbm>>) dst(%dma_wait3A_362 : memref<128x128xf32, #tpu.memory_space<vmem>>)
      %dma_wait3A_369 = arith.constant 128 : i32
      %dma_wait3A_370 = arith.constant 0 : i32
      %dma_wait3A_371 = tpu.memref_slice %arg9[%dma_wait3A_369, %dma_wait3A_370] : memref<200x128xf32, #tpu.memory_space<vmem>> -> memref<72x128xf32, #tpu.memory_space<vmem>>
      %dma_wait3A_372 = arith.constant 0 : i32
      %dma_wait3A_373 = tpu.memref_slice %arg6[%add3A_359, %dma_wait3A_372] : memref<128x128xi32, #tpu.memory_space<vmem>> -> memref<1x72xi32, #tpu.memory_space<vmem>>
      %dma_wait3A_374 = tpu.memref_squeeze %dma_wait3A_373 : memref<1x72xi32, #tpu.memory_space<vmem>> -> memref<72xi32, #tpu.memory_space<vmem>>
      %dma_wait3A_375 = arith.constant 0 : i32
      %dma_wait3A_376 = arith.constant 0 : i32
      %dma_wait3A_377 = tpu.memref_slice %arg3[%dma_wait3A_375, %dma_wait3A_376] : memref<1000000x128xf32, #tpu.memory_space<hbm>> -> memref<1000000x128xf32, #tpu.memory_space<hbm>>
      tpu.wait_indirect_dma semaphore(%arg11 : memref<!tpu.dma_semaphore, #tpu.memory_space<semaphore_mem>>) src(%dma_wait3A_377 : memref<1000000x128xf32, #tpu.memory_space<hbm>>) dst(%dma_wait3A_371 : memref<72x128xf32, #tpu.memory_space<vmem>>)
      %add3A_378 = arith.constant 2 : i32
      %add3A_379 = arith.addi %mul3A_177, %add3A_378 : i32
      %broadcast_in_dim3A_380 = arith.constant 0.000000e+00 : f32
      %broadcast_in_dim3A_381 = vector.broadcast %broadcast_in_dim3A_380 : f32 to vector<16xf32>
      %scan3A_382 = arith.constant 0 : i32
      %scan3A_383 = arith.constant 25 : i32
      %scan3A_384 = arith.addi %scan3A_382, %scan3A_383 : i32
      %scan3A_385 = arith.constant 1 : i32
      %scan3A_386:4 = scf.for %scan3A_420 = %scan3A_382 to %scan3A_384 step %scan3A_385 iter_args(%scan3A_421 = %broadcast_in_dim3A_381, %scan3A_422 = %broadcast_in_dim3A_381, %scan3A_423 = %broadcast_in_dim3A_381, %scan3A_424 = %broadcast_in_dim3A_381) -> (vector<16xf32>, vector<16xf32>, vector<16xf32>, vector<16xf32>)  : i32 {
        %mul3A_425 = arith.constant 8 : i32
        %mul3A_426 = arith.muli %scan3A_420, %mul3A_425 : i32
        %add3A_427 = arith.constant 0 : i32
        %add3A_428 = arith.addi %mul3A_426, %add3A_427 : i32
        %get3A = arith.index_cast %add3A_428 : i32 to index
        %get3A_429 = arith.constant 0 : index
        %get3A_430 = tpu.vector_load %arg9[%get3A, %get3A_429] {strides = array<i32>} : memref<200x128xf32, #tpu.memory_space<vmem>>, vector<1x16xf32>,
        %get3A_431 = vector.shape_cast %get3A_430 : vector<1x16xf32> to vector<16xf32>
        %add3A_432 = arith.addf %scan3A_421, %get3A_431 : vector<16xf32>
        %mul3A_433 = arith.constant 8 : i32
        %mul3A_434 = arith.muli %scan3A_420, %mul3A_433 : i32
        %add3A_435 = arith.constant 1 : i32
        %add3A_436 = arith.addi %mul3A_434, %add3A_435 : i32
        %get3A_437 = arith.index_cast %add3A_436 : i32 to index
        %get3A_438 = arith.constant 0 : index
        %get3A_439 = tpu.vector_load %arg9[%get3A_437, %get3A_438] {strides = array<i32>} : memref<200x128xf32, #tpu.memory_space<vmem>>, vector<1x16xf32>,
        %get3A_440 = vector.shape_cast %get3A_439 : vector<1x16xf32> to vector<16xf32>
        %add3A_441 = arith.addf %add3A_432, %get3A_440 : vector<16xf32>
        %mul3A_442 = arith.constant 8 : i32
        %mul3A_443 = arith.muli %scan3A_420, %mul3A_442 : i32
        %add3A_444 = arith.constant 2 : i32
        %add3A_445 = arith.addi %mul3A_443, %add3A_444 : i32
        %get3A_446 = arith.index_cast %add3A_445 : i32 to index
        %get3A_447 = arith.constant 0 : index
        %get3A_448 = tpu.vector_load %arg9[%get3A_446, %get3A_447] {strides = array<i32>} : memref<200x128xf32, #tpu.memory_space<vmem>>, vector<1x16xf32>,
        %get3A_449 = vector.shape_cast %get3A_448 : vector<1x16xf32> to vector<16xf32>
        %add3A_450 = arith.addf %add3A_441, %get3A_449 : vector<16xf32>
        %mul3A_451 = arith.constant 8 : i32
        %mul3A_452 = arith.muli %scan3A_420, %mul3A_451 : i32
        %add3A_453 = arith.constant 3 : i32
        %add3A_454 = arith.addi %mul3A_452, %add3A_453 : i32
        %get3A_455 = arith.index_cast %add3A_454 : i32 to index
        %get3A_456 = arith.constant 0 : index
        %get3A_457 = tpu.vector_load %arg9[%get3A_455, %get3A_456] {strides = array<i32>} : memref<200x128xf32, #tpu.memory_space<vmem>>, vector<1x16xf32>,
        %get3A_458 = vector.shape_cast %get3A_457 : vector<1x16xf32> to vector<16xf32>
        %add3A_459 = arith.addf %add3A_450, %get3A_458 : vector<16xf32>
        %mul3A_460 = arith.constant 8 : i32
        %mul3A_461 = arith.muli %scan3A_420, %mul3A_460 : i32
        %add3A_462 = arith.constant 4 : i32
        %add3A_463 = arith.addi %mul3A_461, %add3A_462 : i32
        %get3A_464 = arith.index_cast %add3A_463 : i32 to index
        %get3A_465 = arith.constant 0 : index
        %get3A_466 = tpu.vector_load %arg9[%get3A_464, %get3A_465] {strides = array<i32>} : memref<200x128xf32, #tpu.memory_space<vmem>>, vector<1x16xf32>,
        %get3A_467 = vector.shape_cast %get3A_466 : vector<1x16xf32> to vector<16xf32>
        %add3A_468 = arith.addf %add3A_459, %get3A_467 : vector<16xf32>
        %mul3A_469 = arith.constant 8 : i32
        %mul3A_470 = arith.muli %scan3A_420, %mul3A_469 : i32
        %add3A_471 = arith.constant 5 : i32
        %add3A_472 = arith.addi %mul3A_470, %add3A_471 : i32
        %get3A_473 = arith.index_cast %add3A_472 : i32 to index
        %get3A_474 = arith.constant 0 : index
        %get3A_475 = tpu.vector_load %arg9[%get3A_473, %get3A_474] {strides = array<i32>} : memref<200x128xf32, #tpu.memory_space<vmem>>, vector<1x16xf32>,
        %get3A_476 = vector.shape_cast %get3A_475 : vector<1x16xf32> to vector<16xf32>
        %add3A_477 = arith.addf %add3A_468, %get3A_476 : vector<16xf32>
        %mul3A_478 = arith.constant 8 : i32
        %mul3A_479 = arith.muli %scan3A_420, %mul3A_478 : i32
        %add3A_480 = arith.constant 6 : i32
        %add3A_481 = arith.addi %mul3A_479, %add3A_480 : i32
        %get3A_482 = arith.index_cast %add3A_481 : i32 to index
        %get3A_483 = arith.constant 0 : index
        %get3A_484 = tpu.vector_load %arg9[%get3A_482, %get3A_483] {strides = array<i32>} : memref<200x128xf32, #tpu.memory_space<vmem>>, vector<1x16xf32>,
        %get3A_485 = vector.shape_cast %get3A_484 : vector<1x16xf32> to vector<16xf32>
        %add3A_486 = arith.addf %add3A_477, %get3A_485 : vector<16xf32>
        %mul3A_487 = arith.constant 8 : i32
        %mul3A_488 = arith.muli %scan3A_420, %mul3A_487 : i32
        %add3A_489 = arith.constant 7 : i32
        %add3A_490 = arith.addi %mul3A_488, %add3A_489 : i32
        %get3A_491 = arith.index_cast %add3A_490 : i32 to index
        %get3A_492 = arith.constant 0 : index
        %get3A_493 = tpu.vector_load %arg9[%get3A_491, %get3A_492] {strides = array<i32>} : memref<200x128xf32, #tpu.memory_space<vmem>>, vector<1x16xf32>,
        %get3A_494 = vector.shape_cast %get3A_493 : vector<1x16xf32> to vector<16xf32>
        %add3A_495 = arith.addf %add3A_486, %get3A_494 : vector<16xf32>
        %mul3A_496 = arith.constant 8 : i32
        %mul3A_497 = arith.muli %scan3A_420, %mul3A_496 : i32
        %add3A_498 = arith.constant 0 : i32
        %add3A_499 = arith.addi %mul3A_497, %add3A_498 : i32
        %get3A_500 = arith.index_cast %add3A_499 : i32 to index
        %get3A_501 = arith.constant 16 : index
        %get3A_502 = tpu.vector_load %arg9[%get3A_500, %get3A_501] {strides = array<i32>} : memref<200x128xf32, #tpu.memory_space<vmem>>, vector<1x16xf32>,
        %get3A_503 = vector.shape_cast %get3A_502 : vector<1x16xf32> to vector<16xf32>
        %add3A_504 = arith.addf %scan3A_422, %get3A_503 : vector<16xf32>
        %mul3A_505 = arith.constant 8 : i32
        %mul3A_506 = arith.muli %scan3A_420, %mul3A_505 : i32
        %add3A_507 = arith.constant 1 : i32
        %add3A_508 = arith.addi %mul3A_506, %add3A_507 : i32
        %get3A_509 = arith.index_cast %add3A_508 : i32 to index
        %get3A_510 = arith.constant 16 : index
        %get3A_511 = tpu.vector_load %arg9[%get3A_509, %get3A_510] {strides = array<i32>} : memref<200x128xf32, #tpu.memory_space<vmem>>, vector<1x16xf32>,
        %get3A_512 = vector.shape_cast %get3A_511 : vector<1x16xf32> to vector<16xf32>
        %add3A_513 = arith.addf %add3A_504, %get3A_512 : vector<16xf32>
        %mul3A_514 = arith.constant 8 : i32
        %mul3A_515 = arith.muli %scan3A_420, %mul3A_514 : i32
        %add3A_516 = arith.constant 2 : i32
        %add3A_517 = arith.addi %mul3A_515, %add3A_516 : i32
        %get3A_518 = arith.index_cast %add3A_517 : i32 to index
        %get3A_519 = arith.constant 16 : index
        %get3A_520 = tpu.vector_load %arg9[%get3A_518, %get3A_519] {strides = array<i32>} : memref<200x128xf32, #tpu.memory_space<vmem>>, vector<1x16xf32>,
        %get3A_521 = vector.shape_cast %get3A_520 : vector<1x16xf32> to vector<16xf32>
        %add3A_522 = arith.addf %add3A_513, %get3A_521 : vector<16xf32>
        %mul3A_523 = arith.constant 8 : i32
        %mul3A_524 = arith.muli %scan3A_420, %mul3A_523 : i32
        %add3A_525 = arith.constant 3 : i32
        %add3A_526 = arith.addi %mul3A_524, %add3A_525 : i32
        %get3A_527 = arith.index_cast %add3A_526 : i32 to index
        %get3A_528 = arith.constant 16 : index
        %get3A_529 = tpu.vector_load %arg9[%get3A_527, %get3A_528] {strides = array<i32>} : memref<200x128xf32, #tpu.memory_space<vmem>>, vector<1x16xf32>,
        %get3A_530 = vector.shape_cast %get3A_529 : vector<1x16xf32> to vector<16xf32>
        %add3A_531 = arith.addf %add3A_522, %get3A_530 : vector<16xf32>
        %mul3A_532 = arith.constant 8 : i32
        %mul3A_533 = arith.muli %scan3A_420, %mul3A_532 : i32
        %add3A_534 = arith.constant 4 : i32
        %add3A_535 = arith.addi %mul3A_533, %add3A_534 : i32
        %get3A_536 = arith.index_cast %add3A_535 : i32 to index
        %get3A_537 = arith.constant 16 : index
        %get3A_538 = tpu.vector_load %arg9[%get3A_536, %get3A_537] {strides = array<i32>} : memref<200x128xf32, #tpu.memory_space<vmem>>, vector<1x16xf32>,
        %get3A_539 = vector.shape_cast %get3A_538 : vector<1x16xf32> to vector<16xf32>
        %add3A_540 = arith.addf %add3A_531, %get3A_539 : vector<16xf32>
        %mul3A_541 = arith.constant 8 : i32
        %mul3A_542 = arith.muli %scan3A_420, %mul3A_541 : i32
        %add3A_543 = arith.constant 5 : i32
        %add3A_544 = arith.addi %mul3A_542, %add3A_543 : i32
        %get3A_545 = arith.index_cast %add3A_544 : i32 to index
        %get3A_546 = arith.constant 16 : index
        %get3A_547 = tpu.vector_load %arg9[%get3A_545, %get3A_546] {strides = array<i32>} : memref<200x128xf32, #tpu.memory_space<vmem>>, vector<1x16xf32>,
        %get3A_548 = vector.shape_cast %get3A_547 : vector<1x16xf32> to vector<16xf32>
        %add3A_549 = arith.addf %add3A_540, %get3A_548 : vector<16xf32>
        %mul3A_550 = arith.constant 8 : i32
        %mul3A_551 = arith.muli %scan3A_420, %mul3A_550 : i32
        %add3A_552 = arith.constant 6 : i32
        %add3A_553 = arith.addi %mul3A_551, %add3A_552 : i32
        %get3A_554 = arith.index_cast %add3A_553 : i32 to index
        %get3A_555 = arith.constant 16 : index
        %get3A_556 = tpu.vector_load %arg9[%get3A_554, %get3A_555] {strides = array<i32>} : memref<200x128xf32, #tpu.memory_space<vmem>>, vector<1x16xf32>,
        %get3A_557 = vector.shape_cast %get3A_556 : vector<1x16xf32> to vector<16xf32>
        %add3A_558 = arith.addf %add3A_549, %get3A_557 : vector<16xf32>
        %mul3A_559 = arith.constant 8 : i32
        %mul3A_560 = arith.muli %scan3A_420, %mul3A_559 : i32
        %add3A_561 = arith.constant 7 : i32
        %add3A_562 = arith.addi %mul3A_560, %add3A_561 : i32
        %get3A_563 = arith.index_cast %add3A_562 : i32 to index
        %get3A_564 = arith.constant 16 : index
        %get3A_565 = tpu.vector_load %arg9[%get3A_563, %get3A_564] {strides = array<i32>} : memref<200x128xf32, #tpu.memory_space<vmem>>, vector<1x16xf32>,
        %get3A_566 = vector.shape_cast %get3A_565 : vector<1x16xf32> to vector<16xf32>
        %add3A_567 = arith.addf %add3A_558, %get3A_566 : vector<16xf32>
        %mul3A_568 = arith.constant 8 : i32
        %mul3A_569 = arith.muli %scan3A_420, %mul3A_568 : i32
        %add3A_570 = arith.constant 0 : i32
        %add3A_571 = arith.addi %mul3A_569, %add3A_570 : i32
        %get3A_572 = arith.index_cast %add3A_571 : i32 to index
        %get3A_573 = arith.constant 32 : index
        %get3A_574 = tpu.vector_load %arg9[%get3A_572, %get3A_573] {strides = array<i32>} : memref<200x128xf32, #tpu.memory_space<vmem>>, vector<1x16xf32>,
        %get3A_575 = vector.shape_cast %get3A_574 : vector<1x16xf32> to vector<16xf32>
        %add3A_576 = arith.addf %scan3A_423, %get3A_575 : vector<16xf32>
        %mul3A_577 = arith.constant 8 : i32
        %mul3A_578 = arith.muli %scan3A_420, %mul3A_577 : i32
        %add3A_579 = arith.constant 1 : i32
        %add3A_580 = arith.addi %mul3A_578, %add3A_579 : i32
        %get3A_581 = arith.index_cast %add3A_580 : i32 to index
        %get3A_582 = arith.constant 32 : index
        %get3A_583 = tpu.vector_load %arg9[%get3A_581, %get3A_582] {strides = array<i32>} : memref<200x128xf32, #tpu.memory_space<vmem>>, vector<1x16xf32>,
        %get3A_584 = vector.shape_cast %get3A_583 : vector<1x16xf32> to vector<16xf32>
        %add3A_585 = arith.addf %add3A_576, %get3A_584 : vector<16xf32>
        %mul3A_586 = arith.constant 8 : i32
        %mul3A_587 = arith.muli %scan3A_420, %mul3A_586 : i32
        %add3A_588 = arith.constant 2 : i32
        %add3A_589 = arith.addi %mul3A_587, %add3A_588 : i32
        %get3A_590 = arith.index_cast %add3A_589 : i32 to index
        %get3A_591 = arith.constant 32 : index
        %get3A_592 = tpu.vector_load %arg9[%get3A_590, %get3A_591] {strides = array<i32>} : memref<200x128xf32, #tpu.memory_space<vmem>>, vector<1x16xf32>,
        %get3A_593 = vector.shape_cast %get3A_592 : vector<1x16xf32> to vector<16xf32>
        %add3A_594 = arith.addf %add3A_585, %get3A_593 : vector<16xf32>
        %mul3A_595 = arith.constant 8 : i32
        %mul3A_596 = arith.muli %scan3A_420, %mul3A_595 : i32
        %add3A_597 = arith.constant 3 : i32
        %add3A_598 = arith.addi %mul3A_596, %add3A_597 : i32
        %get3A_599 = arith.index_cast %add3A_598 : i32 to index
        %get3A_600 = arith.constant 32 : index
        %get3A_601 = tpu.vector_load %arg9[%get3A_599, %get3A_600] {strides = array<i32>} : memref<200x128xf32, #tpu.memory_space<vmem>>, vector<1x16xf32>,
        %get3A_602 = vector.shape_cast %get3A_601 : vector<1x16xf32> to vector<16xf32>
        %add3A_603 = arith.addf %add3A_594, %get3A_602 : vector<16xf32>
        %mul3A_604 = arith.constant 8 : i32
        %mul3A_605 = arith.muli %scan3A_420, %mul3A_604 : i32
        %add3A_606 = arith.constant 4 : i32
        %add3A_607 = arith.addi %mul3A_605, %add3A_606 : i32
        %get3A_608 = arith.index_cast %add3A_607 : i32 to index
        %get3A_609 = arith.constant 32 : index
        %get3A_610 = tpu.vector_load %arg9[%get3A_608, %get3A_609] {strides = array<i32>} : memref<200x128xf32, #tpu.memory_space<vmem>>, vector<1x16xf32>,
        %get3A_611 = vector.shape_cast %get3A_610 : vector<1x16xf32> to vector<16xf32>
        %add3A_612 = arith.addf %add3A_603, %get3A_611 : vector<16xf32>
        %mul3A_613 = arith.constant 8 : i32
        %mul3A_614 = arith.muli %scan3A_420, %mul3A_613 : i32
        %add3A_615 = arith.constant 5 : i32
        %add3A_616 = arith.addi %mul3A_614, %add3A_615 : i32
        %get3A_617 = arith.index_cast %add3A_616 : i32 to index
        %get3A_618 = arith.constant 32 : index
        %get3A_619 = tpu.vector_load %arg9[%get3A_617, %get3A_618] {strides = array<i32>} : memref<200x128xf32, #tpu.memory_space<vmem>>, vector<1x16xf32>,
        %get3A_620 = vector.shape_cast %get3A_619 : vector<1x16xf32> to vector<16xf32>
        %add3A_621 = arith.addf %add3A_612, %get3A_620 : vector<16xf32>
        %mul3A_622 = arith.constant 8 : i32
        %mul3A_623 = arith.muli %scan3A_420, %mul3A_622 : i32
        %add3A_624 = arith.constant 6 : i32
        %add3A_625 = arith.addi %mul3A_623, %add3A_624 : i32
        %get3A_626 = arith.index_cast %add3A_625 : i32 to index
        %get3A_627 = arith.constant 32 : index
        %get3A_628 = tpu.vector_load %arg9[%get3A_626, %get3A_627] {strides = array<i32>} : memref<200x128xf32, #tpu.memory_space<vmem>>, vector<1x16xf32>,
        %get3A_629 = vector.shape_cast %get3A_628 : vector<1x16xf32> to vector<16xf32>
        %add3A_630 = arith.addf %add3A_621, %get3A_629 : vector<16xf32>
        %mul3A_631 = arith.constant 8 : i32
        %mul3A_632 = arith.muli %scan3A_420, %mul3A_631 : i32
        %add3A_633 = arith.constant 7 : i32
        %add3A_634 = arith.addi %mul3A_632, %add3A_633 : i32
        %get3A_635 = arith.index_cast %add3A_634 : i32 to index
        %get3A_636 = arith.constant 32 : index
        %get3A_637 = tpu.vector_load %arg9[%get3A_635, %get3A_636] {strides = array<i32>} : memref<200x128xf32, #tpu.memory_space<vmem>>, vector<1x16xf32>,
        %get3A_638 = vector.shape_cast %get3A_637 : vector<1x16xf32> to vector<16xf32>
        %add3A_639 = arith.addf %add3A_630, %get3A_638 : vector<16xf32>
        %mul3A_640 = arith.constant 8 : i32
        %mul3A_641 = arith.muli %scan3A_420, %mul3A_640 : i32
        %add3A_642 = arith.constant 0 : i32
        %add3A_643 = arith.addi %mul3A_641, %add3A_642 : i32
        %get3A_644 = arith.index_cast %add3A_643 : i32 to index
        %get3A_645 = arith.constant 48 : index
        %get3A_646 = tpu.vector_load %arg9[%get3A_644, %get3A_645] {strides = array<i32>} : memref<200x128xf32, #tpu.memory_space<vmem>>, vector<1x16xf32>,
        %get3A_647 = vector.shape_cast %get3A_646 : vector<1x16xf32> to vector<16xf32>
        %add3A_648 = arith.addf %scan3A_424, %get3A_647 : vector<16xf32>
        %mul3A_649 = arith.constant 8 : i32
        %mul3A_650 = arith.muli %scan3A_420, %mul3A_649 : i32
        %add3A_651 = arith.constant 1 : i32
        %add3A_652 = arith.addi %mul3A_650, %add3A_651 : i32
        %get3A_653 = arith.index_cast %add3A_652 : i32 to index
        %get3A_654 = arith.constant 48 : index
        %get3A_655 = tpu.vector_load %arg9[%get3A_653, %get3A_654] {strides = array<i32>} : memref<200x128xf32, #tpu.memory_space<vmem>>, vector<1x16xf32>,
        %get3A_656 = vector.shape_cast %get3A_655 : vector<1x16xf32> to vector<16xf32>
        %add3A_657 = arith.addf %add3A_648, %get3A_656 : vector<16xf32>
        %mul3A_658 = arith.constant 8 : i32
        %mul3A_659 = arith.muli %scan3A_420, %mul3A_658 : i32
        %add3A_660 = arith.constant 2 : i32
        %add3A_661 = arith.addi %mul3A_659, %add3A_660 : i32
        %get3A_662 = arith.index_cast %add3A_661 : i32 to index
        %get3A_663 = arith.constant 48 : index
        %get3A_664 = tpu.vector_load %arg9[%get3A_662, %get3A_663] {strides = array<i32>} : memref<200x128xf32, #tpu.memory_space<vmem>>, vector<1x16xf32>,
        %get3A_665 = vector.shape_cast %get3A_664 : vector<1x16xf32> to vector<16xf32>
        %add3A_666 = arith.addf %add3A_657, %get3A_665 : vector<16xf32>
        %mul3A_667 = arith.constant 8 : i32
        %mul3A_668 = arith.muli %scan3A_420, %mul3A_667 : i32
        %add3A_669 = arith.constant 3 : i32
        %add3A_670 = arith.addi %mul3A_668, %add3A_669 : i32
        %get3A_671 = arith.index_cast %add3A_670 : i32 to index
        %get3A_672 = arith.constant 48 : index
        %get3A_673 = tpu.vector_load %arg9[%get3A_671, %get3A_672] {strides = array<i32>} : memref<200x128xf32, #tpu.memory_space<vmem>>, vector<1x16xf32>,
        %get3A_674 = vector.shape_cast %get3A_673 : vector<1x16xf32> to vector<16xf32>
        %add3A_675 = arith.addf %add3A_666, %get3A_674 : vector<16xf32>
        %mul3A_676 = arith.constant 8 : i32
        %mul3A_677 = arith.muli %scan3A_420, %mul3A_676 : i32
        %add3A_678 = arith.constant 4 : i32
        %add3A_679 = arith.addi %mul3A_677, %add3A_678 : i32
        %get3A_680 = arith.index_cast %add3A_679 : i32 to index
        %get3A_681 = arith.constant 48 : index
        %get3A_682 = tpu.vector_load %arg9[%get3A_680, %get3A_681] {strides = array<i32>} : memref<200x128xf32, #tpu.memory_space<vmem>>, vector<1x16xf32>,
        %get3A_683 = vector.shape_cast %get3A_682 : vector<1x16xf32> to vector<16xf32>
        %add3A_684 = arith.addf %add3A_675, %get3A_683 : vector<16xf32>
        %mul3A_685 = arith.constant 8 : i32
        %mul3A_686 = arith.muli %scan3A_420, %mul3A_685 : i32
        %add3A_687 = arith.constant 5 : i32
        %add3A_688 = arith.addi %mul3A_686, %add3A_687 : i32
        %get3A_689 = arith.index_cast %add3A_688 : i32 to index
        %get3A_690 = arith.constant 48 : index
        %get3A_691 = tpu.vector_load %arg9[%get3A_689, %get3A_690] {strides = array<i32>} : memref<200x128xf32, #tpu.memory_space<vmem>>, vector<1x16xf32>,
        %get3A_692 = vector.shape_cast %get3A_691 : vector<1x16xf32> to vector<16xf32>
        %add3A_693 = arith.addf %add3A_684, %get3A_692 : vector<16xf32>
        %mul3A_694 = arith.constant 8 : i32
        %mul3A_695 = arith.muli %scan3A_420, %mul3A_694 : i32
        %add3A_696 = arith.constant 6 : i32
        %add3A_697 = arith.addi %mul3A_695, %add3A_696 : i32
        %get3A_698 = arith.index_cast %add3A_697 : i32 to index
        %get3A_699 = arith.constant 48 : index
        %get3A_700 = tpu.vector_load %arg9[%get3A_698, %get3A_699] {strides = array<i32>} : memref<200x128xf32, #tpu.memory_space<vmem>>, vector<1x16xf32>,
        %get3A_701 = vector.shape_cast %get3A_700 : vector<1x16xf32> to vector<16xf32>
        %add3A_702 = arith.addf %add3A_693, %get3A_701 : vector<16xf32>
        %mul3A_703 = arith.constant 8 : i32
        %mul3A_704 = arith.muli %scan3A_420, %mul3A_703 : i32
        %add3A_705 = arith.constant 7 : i32
        %add3A_706 = arith.addi %mul3A_704, %add3A_705 : i32
        %get3A_707 = arith.index_cast %add3A_706 : i32 to index
        %get3A_708 = arith.constant 48 : index
        %get3A_709 = tpu.vector_load %arg9[%get3A_707, %get3A_708] {strides = array<i32>} : memref<200x128xf32, #tpu.memory_space<vmem>>, vector<1x16xf32>,
        %get3A_710 = vector.shape_cast %get3A_709 : vector<1x16xf32> to vector<16xf32>
        %add3A_711 = arith.addf %add3A_702, %get3A_710 : vector<16xf32>
        scf.yield %add3A_495, %add3A_567, %add3A_639, %add3A_711 : vector<16xf32>, vector<16xf32>, vector<16xf32>, vector<16xf32>
      }
      %scan3A_387 = arith.constant 25 : i32
      %mul3A_388 = arith.constant 5.000000e-03 : f32
      %mul3A_389 = vector.broadcast %mul3A_388 : f32 to vector<16xf32>
      %mul3A_390 = arith.mulf %scan3A_386#0, %mul3A_389 : vector<16xf32>
      %swap3A_391 = arith.index_cast %add3A_379 : i32 to index
      %swap3A_392 = arith.constant 0 : index
      %swap3A_393 = tpu.vector_load %arg10[%swap3A_391, %swap3A_392] {strides = array<i32>} : memref<128x128xf32, #tpu.memory_space<vmem>>, vector<1x16xf32>,
      %swap3A_394 = vector.shape_cast %swap3A_393 : vector<1x16xf32> to vector<16xf32>
      %swap3A_395 = vector.shape_cast %mul3A_390 : vector<16xf32> to vector<1x16xf32>
      tpu.vector_store %arg10[%swap3A_391, %swap3A_392], %swap3A_395 {strides = array<i32>} : memref<128x128xf32, #tpu.memory_space<vmem>>, vector<1x16xf32>,
      %mul3A_396 = arith.constant 5.000000e-03 : f32
      %mul3A_397 = vector.broadcast %mul3A_396 : f32 to vector<16xf32>
      %mul3A_398 = arith.mulf %scan3A_386#1, %mul3A_397 : vector<16xf32>
      %swap3A_399 = arith.index_cast %add3A_379 : i32 to index
      %swap3A_400 = arith.constant 16 : index
      %swap3A_401 = tpu.vector_load %arg10[%swap3A_399, %swap3A_400] {strides = array<i32>} : memref<128x128xf32, #tpu.memory_space<vmem>>, vector<1x16xf32>,
      %swap3A_402 = vector.shape_cast %swap3A_401 : vector<1x16xf32> to vector<16xf32>
      %swap3A_403 = vector.shape_cast %mul3A_398 : vector<16xf32> to vector<1x16xf32>
      tpu.vector_store %arg10[%swap3A_399, %swap3A_400], %swap3A_403 {strides = array<i32>} : memref<128x128xf32, #tpu.memory_space<vmem>>, vector<1x16xf32>,
      %mul3A_404 = arith.constant 5.000000e-03 : f32
      %mul3A_405 = vector.broadcast %mul3A_404 : f32 to vector<16xf32>
      %mul3A_406 = arith.mulf %scan3A_386#2, %mul3A_405 : vector<16xf32>
      %swap3A_407 = arith.index_cast %add3A_379 : i32 to index
      %swap3A_408 = arith.constant 32 : index
      %swap3A_409 = tpu.vector_load %arg10[%swap3A_407, %swap3A_408] {strides = array<i32>} : memref<128x128xf32, #tpu.memory_space<vmem>>, vector<1x16xf32>,
      %swap3A_410 = vector.shape_cast %swap3A_409 : vector<1x16xf32> to vector<16xf32>
      %swap3A_411 = vector.shape_cast %mul3A_406 : vector<16xf32> to vector<1x16xf32>
      tpu.vector_store %arg10[%swap3A_407, %swap3A_408], %swap3A_411 {strides = array<i32>} : memref<128x128xf32, #tpu.memory_space<vmem>>, vector<1x16xf32>,
      %mul3A_412 = arith.constant 5.000000e-03 : f32
      %mul3A_413 = vector.broadcast %mul3A_412 : f32 to vector<16xf32>
      %mul3A_414 = arith.mulf %scan3A_386#3, %mul3A_413 : vector<16xf32>
      %swap3A_415 = arith.index_cast %add3A_379 : i32 to index
      %swap3A_416 = arith.constant 48 : index
      %swap3A_417 = tpu.vector_load %arg10[%swap3A_415, %swap3A_416] {strides = array<i32>} : memref<128x128xf32, #tpu.memory_space<vmem>>, vector<1x16xf32>,
      %swap3A_418 = vector.shape_cast %swap3A_417 : vector<1x16xf32> to vector<16xf32>
      %swap3A_419 = vector.shape_cast %mul3A_414 : vector<16xf32> to vector<1x16xf32>
      tpu.vector_store %arg10[%swap3A_415, %swap3A_416], %swap3A_419 {strides = array<i32>} : memref<128x128xf32, #tpu.memory_space<vmem>>, vector<1x16xf32>,
    }
    %scan3A_45 = arith.constant 42 : i32
    %dma_wait3A = arith.constant 126 : i32
    %dma_wait3A_46 = arith.constant 0 : i32
    %dma_wait3A_47 = arith.constant 0 : i32
    %dma_wait3A_48 = tpu.memref_slice %arg7[%dma_wait3A_46, %dma_wait3A_47] : memref<200x128xf32, #tpu.memory_space<vmem>> -> memref<128x128xf32, #tpu.memory_space<vmem>>
    %dma_wait3A_49 = arith.constant 0 : i32
    %dma_wait3A_50 = tpu.memref_slice %arg5[%dma_wait3A, %dma_wait3A_49] : memref<128x128xi32, #tpu.memory_space<vmem>> -> memref<1x128xi32, #tpu.memory_space<vmem>>
    %dma_wait3A_51 = tpu.memref_squeeze %dma_wait3A_50 : memref<1x128xi32, #tpu.memory_space<vmem>> -> memref<128xi32, #tpu.memory_space<vmem>>
    %dma_wait3A_52 = arith.constant 0 : i32
    %dma_wait3A_53 = arith.constant 0 : i32
    %dma_wait3A_54 = tpu.memref_slice %arg3[%dma_wait3A_52, %dma_wait3A_53] : memref<1000000x128xf32, #tpu.memory_space<hbm>> -> memref<1000000x128xf32, #tpu.memory_space<hbm>>
    tpu.wait_indirect_dma semaphore(%arg11 : memref<!tpu.dma_semaphore, #tpu.memory_space<semaphore_mem>>) src(%dma_wait3A_54 : memref<1000000x128xf32, #tpu.memory_space<hbm>>) dst(%dma_wait3A_48 : memref<128x128xf32, #tpu.memory_space<vmem>>)
    %dma_wait3A_55 = arith.constant 126 : i32
    %dma_wait3A_56 = arith.constant 128 : i32
    %dma_wait3A_57 = arith.constant 0 : i32
    %dma_wait3A_58 = tpu.memref_slice %arg7[%dma_wait3A_56, %dma_wait3A_57] : memref<200x128xf32, #tpu.memory_space<vmem>> -> memref<72x128xf32, #tpu.memory_space<vmem>>
    %dma_wait3A_59 = arith.constant 0 : i32
    %dma_wait3A_60 = tpu.memref_slice %arg6[%dma_wait3A_55, %dma_wait3A_59] : memref<128x128xi32, #tpu.memory_space<vmem>> -> memref<1x72xi32, #tpu.memory_space<vmem>>
    %dma_wait3A_61 = tpu.memref_squeeze %dma_wait3A_60 : memref<1x72xi32, #tpu.memory_space<vmem>> -> memref<72xi32, #tpu.memory_space<vmem>>
    %dma_wait3A_62 = arith.constant 0 : i32
    %dma_wait3A_63 = arith.constant 0 : i32
    %dma_wait3A_64 = tpu.memref_slice %arg3[%dma_wait3A_62, %dma_wait3A_63] : memref<1000000x128xf32, #tpu.memory_space<hbm>> -> memref<1000000x128xf32, #tpu.memory_space<hbm>>
    tpu.wait_indirect_dma semaphore(%arg11 : memref<!tpu.dma_semaphore, #tpu.memory_space<semaphore_mem>>) src(%dma_wait3A_64 : memref<1000000x128xf32, #tpu.memory_space<hbm>>) dst(%dma_wait3A_58 : memref<72x128xf32, #tpu.memory_space<vmem>>)
    %broadcast_in_dim3A = arith.constant 0.000000e+00 : f32
    %broadcast_in_dim3A_65 = vector.broadcast %broadcast_in_dim3A : f32 to vector<16xf32>
    %scan3A_66 = arith.constant 0 : i32
    %scan3A_67 = arith.constant 25 : i32
    %scan3A_68 = arith.addi %scan3A_66, %scan3A_67 : i32
    %scan3A_69 = arith.constant 1 : i32
    %scan3A_70:4 = scf.for %scan3A_171 = %scan3A_66 to %scan3A_68 step %scan3A_69 iter_args(%scan3A_172 = %broadcast_in_dim3A_65, %scan3A_173 = %broadcast_in_dim3A_65, %scan3A_174 = %broadcast_in_dim3A_65, %scan3A_175 = %broadcast_in_dim3A_65) -> (vector<16xf32>, vector<16xf32>, vector<16xf32>, vector<16xf32>)  : i32 {
      %mul3A_176 = arith.constant 8 : i32
      %mul3A_177 = arith.muli %scan3A_171, %mul3A_176 : i32
      %add3A_178 = arith.constant 0 : i32
      %add3A_179 = arith.addi %mul3A_177, %add3A_178 : i32
      %get3A = arith.index_cast %add3A_179 : i32 to index
      %get3A_180 = arith.constant 0 : index
      %get3A_181 = tpu.vector_load %arg7[%get3A, %get3A_180] {strides = array<i32>} : memref<200x128xf32, #tpu.memory_space<vmem>>, vector<1x16xf32>,
      %get3A_182 = vector.shape_cast %get3A_181 : vector<1x16xf32> to vector<16xf32>
      %add3A_183 = arith.addf %scan3A_172, %get3A_182 : vector<16xf32>
      %mul3A_184 = arith.constant 8 : i32
      %mul3A_185 = arith.muli %scan3A_171, %mul3A_184 : i32
      %add3A_186 = arith.constant 1 : i32
      %add3A_187 = arith.addi %mul3A_185, %add3A_186 : i32
      %get3A_188 = arith.index_cast %add3A_187 : i32 to index
      %get3A_189 = arith.constant 0 : index
      %get3A_190 = tpu.vector_load %arg7[%get3A_188, %get3A_189] {strides = array<i32>} : memref<200x128xf32, #tpu.memory_space<vmem>>, vector<1x16xf32>,
      %get3A_191 = vector.shape_cast %get3A_190 : vector<1x16xf32> to vector<16xf32>
      %add3A_192 = arith.addf %add3A_183, %get3A_191 : vector<16xf32>
      %mul3A_193 = arith.constant 8 : i32
      %mul3A_194 = arith.muli %scan3A_171, %mul3A_193 : i32
      %add3A_195 = arith.constant 2 : i32
      %add3A_196 = arith.addi %mul3A_194, %add3A_195 : i32
      %get3A_197 = arith.index_cast %add3A_196 : i32 to index
      %get3A_198 = arith.constant 0 : index
      %get3A_199 = tpu.vector_load %arg7[%get3A_197, %get3A_198] {strides = array<i32>} : memref<200x128xf32, #tpu.memory_space<vmem>>, vector<1x16xf32>,
      %get3A_200 = vector.shape_cast %get3A_199 : vector<1x16xf32> to vector<16xf32>
      %add3A_201 = arith.addf %add3A_192, %get3A_200 : vector<16xf32>
      %mul3A_202 = arith.constant 8 : i32
      %mul3A_203 = arith.muli %scan3A_171, %mul3A_202 : i32
      %add3A_204 = arith.constant 3 : i32
      %add3A_205 = arith.addi %mul3A_203, %add3A_204 : i32
      %get3A_206 = arith.index_cast %add3A_205 : i32 to index
      %get3A_207 = arith.constant 0 : index
      %get3A_208 = tpu.vector_load %arg7[%get3A_206, %get3A_207] {strides = array<i32>} : memref<200x128xf32, #tpu.memory_space<vmem>>, vector<1x16xf32>,
      %get3A_209 = vector.shape_cast %get3A_208 : vector<1x16xf32> to vector<16xf32>
      %add3A_210 = arith.addf %add3A_201, %get3A_209 : vector<16xf32>
      %mul3A_211 = arith.constant 8 : i32
      %mul3A_212 = arith.muli %scan3A_171, %mul3A_211 : i32
      %add3A_213 = arith.constant 4 : i32
      %add3A_214 = arith.addi %mul3A_212, %add3A_213 : i32
      %get3A_215 = arith.index_cast %add3A_214 : i32 to index
      %get3A_216 = arith.constant 0 : index
      %get3A_217 = tpu.vector_load %arg7[%get3A_215, %get3A_216] {strides = array<i32>} : memref<200x128xf32, #tpu.memory_space<vmem>>, vector<1x16xf32>,
      %get3A_218 = vector.shape_cast %get3A_217 : vector<1x16xf32> to vector<16xf32>
      %add3A_219 = arith.addf %add3A_210, %get3A_218 : vector<16xf32>
      %mul3A_220 = arith.constant 8 : i32
      %mul3A_221 = arith.muli %scan3A_171, %mul3A_220 : i32
      %add3A_222 = arith.constant 5 : i32
      %add3A_223 = arith.addi %mul3A_221, %add3A_222 : i32
      %get3A_224 = arith.index_cast %add3A_223 : i32 to index
      %get3A_225 = arith.constant 0 : index
      %get3A_226 = tpu.vector_load %arg7[%get3A_224, %get3A_225] {strides = array<i32>} : memref<200x128xf32, #tpu.memory_space<vmem>>, vector<1x16xf32>,
      %get3A_227 = vector.shape_cast %get3A_226 : vector<1x16xf32> to vector<16xf32>
      %add3A_228 = arith.addf %add3A_219, %get3A_227 : vector<16xf32>
      %mul3A_229 = arith.constant 8 : i32
      %mul3A_230 = arith.muli %scan3A_171, %mul3A_229 : i32
      %add3A_231 = arith.constant 6 : i32
      %add3A_232 = arith.addi %mul3A_230, %add3A_231 : i32
      %get3A_233 = arith.index_cast %add3A_232 : i32 to index
      %get3A_234 = arith.constant 0 : index
      %get3A_235 = tpu.vector_load %arg7[%get3A_233, %get3A_234] {strides = array<i32>} : memref<200x128xf32, #tpu.memory_space<vmem>>, vector<1x16xf32>,
      %get3A_236 = vector.shape_cast %get3A_235 : vector<1x16xf32> to vector<16xf32>
      %add3A_237 = arith.addf %add3A_228, %get3A_236 : vector<16xf32>
      %mul3A_238 = arith.constant 8 : i32
      %mul3A_239 = arith.muli %scan3A_171, %mul3A_238 : i32
      %add3A_240 = arith.constant 7 : i32
      %add3A_241 = arith.addi %mul3A_239, %add3A_240 : i32
      %get3A_242 = arith.index_cast %add3A_241 : i32 to index
      %get3A_243 = arith.constant 0 : index
      %get3A_244 = tpu.vector_load %arg7[%get3A_242, %get3A_243] {strides = array<i32>} : memref<200x128xf32, #tpu.memory_space<vmem>>, vector<1x16xf32>,
      %get3A_245 = vector.shape_cast %get3A_244 : vector<1x16xf32> to vector<16xf32>
      %add3A_246 = arith.addf %add3A_237, %get3A_245 : vector<16xf32>
      %mul3A_247 = arith.constant 8 : i32
      %mul3A_248 = arith.muli %scan3A_171, %mul3A_247 : i32
      %add3A_249 = arith.constant 0 : i32
      %add3A_250 = arith.addi %mul3A_248, %add3A_249 : i32
      %get3A_251 = arith.index_cast %add3A_250 : i32 to index
      %get3A_252 = arith.constant 16 : index
      %get3A_253 = tpu.vector_load %arg7[%get3A_251, %get3A_252] {strides = array<i32>} : memref<200x128xf32, #tpu.memory_space<vmem>>, vector<1x16xf32>,
      %get3A_254 = vector.shape_cast %get3A_253 : vector<1x16xf32> to vector<16xf32>
      %add3A_255 = arith.addf %scan3A_173, %get3A_254 : vector<16xf32>
      %mul3A_256 = arith.constant 8 : i32
      %mul3A_257 = arith.muli %scan3A_171, %mul3A_256 : i32
      %add3A_258 = arith.constant 1 : i32
      %add3A_259 = arith.addi %mul3A_257, %add3A_258 : i32
      %get3A_260 = arith.index_cast %add3A_259 : i32 to index
      %get3A_261 = arith.constant 16 : index
      %get3A_262 = tpu.vector_load %arg7[%get3A_260, %get3A_261] {strides = array<i32>} : memref<200x128xf32, #tpu.memory_space<vmem>>, vector<1x16xf32>,
      %get3A_263 = vector.shape_cast %get3A_262 : vector<1x16xf32> to vector<16xf32>
      %add3A_264 = arith.addf %add3A_255, %get3A_263 : vector<16xf32>
      %mul3A_265 = arith.constant 8 : i32
      %mul3A_266 = arith.muli %scan3A_171, %mul3A_265 : i32
      %add3A_267 = arith.constant 2 : i32
      %add3A_268 = arith.addi %mul3A_266, %add3A_267 : i32
      %get3A_269 = arith.index_cast %add3A_268 : i32 to index
      %get3A_270 = arith.constant 16 : index
      %get3A_271 = tpu.vector_load %arg7[%get3A_269, %get3A_270] {strides = array<i32>} : memref<200x128xf32, #tpu.memory_space<vmem>>, vector<1x16xf32>,
      %get3A_272 = vector.shape_cast %get3A_271 : vector<1x16xf32> to vector<16xf32>
      %add3A_273 = arith.addf %add3A_264, %get3A_272 : vector<16xf32>
      %mul3A_274 = arith.constant 8 : i32
      %mul3A_275 = arith.muli %scan3A_171, %mul3A_274 : i32
      %add3A_276 = arith.constant 3 : i32
      %add3A_277 = arith.addi %mul3A_275, %add3A_276 : i32
      %get3A_278 = arith.index_cast %add3A_277 : i32 to index
      %get3A_279 = arith.constant 16 : index
      %get3A_280 = tpu.vector_load %arg7[%get3A_278, %get3A_279] {strides = array<i32>} : memref<200x128xf32, #tpu.memory_space<vmem>>, vector<1x16xf32>,
      %get3A_281 = vector.shape_cast %get3A_280 : vector<1x16xf32> to vector<16xf32>
      %add3A_282 = arith.addf %add3A_273, %get3A_281 : vector<16xf32>
      %mul3A_283 = arith.constant 8 : i32
      %mul3A_284 = arith.muli %scan3A_171, %mul3A_283 : i32
      %add3A_285 = arith.constant 4 : i32
      %add3A_286 = arith.addi %mul3A_284, %add3A_285 : i32
      %get3A_287 = arith.index_cast %add3A_286 : i32 to index
      %get3A_288 = arith.constant 16 : index
      %get3A_289 = tpu.vector_load %arg7[%get3A_287, %get3A_288] {strides = array<i32>} : memref<200x128xf32, #tpu.memory_space<vmem>>, vector<1x16xf32>,
      %get3A_290 = vector.shape_cast %get3A_289 : vector<1x16xf32> to vector<16xf32>
      %add3A_291 = arith.addf %add3A_282, %get3A_290 : vector<16xf32>
      %mul3A_292 = arith.constant 8 : i32
      %mul3A_293 = arith.muli %scan3A_171, %mul3A_292 : i32
      %add3A_294 = arith.constant 5 : i32
      %add3A_295 = arith.addi %mul3A_293, %add3A_294 : i32
      %get3A_296 = arith.index_cast %add3A_295 : i32 to index
      %get3A_297 = arith.constant 16 : index
      %get3A_298 = tpu.vector_load %arg7[%get3A_296, %get3A_297] {strides = array<i32>} : memref<200x128xf32, #tpu.memory_space<vmem>>, vector<1x16xf32>,
      %get3A_299 = vector.shape_cast %get3A_298 : vector<1x16xf32> to vector<16xf32>
      %add3A_300 = arith.addf %add3A_291, %get3A_299 : vector<16xf32>
      %mul3A_301 = arith.constant 8 : i32
      %mul3A_302 = arith.muli %scan3A_171, %mul3A_301 : i32
      %add3A_303 = arith.constant 6 : i32
      %add3A_304 = arith.addi %mul3A_302, %add3A_303 : i32
      %get3A_305 = arith.index_cast %add3A_304 : i32 to index
      %get3A_306 = arith.constant 16 : index
      %get3A_307 = tpu.vector_load %arg7[%get3A_305, %get3A_306] {strides = array<i32>} : memref<200x128xf32, #tpu.memory_space<vmem>>, vector<1x16xf32>,
      %get3A_308 = vector.shape_cast %get3A_307 : vector<1x16xf32> to vector<16xf32>
      %add3A_309 = arith.addf %add3A_300, %get3A_308 : vector<16xf32>
      %mul3A_310 = arith.constant 8 : i32
      %mul3A_311 = arith.muli %scan3A_171, %mul3A_310 : i32
      %add3A_312 = arith.constant 7 : i32
      %add3A_313 = arith.addi %mul3A_311, %add3A_312 : i32
      %get3A_314 = arith.index_cast %add3A_313 : i32 to index
      %get3A_315 = arith.constant 16 : index
      %get3A_316 = tpu.vector_load %arg7[%get3A_314, %get3A_315] {strides = array<i32>} : memref<200x128xf32, #tpu.memory_space<vmem>>, vector<1x16xf32>,
      %get3A_317 = vector.shape_cast %get3A_316 : vector<1x16xf32> to vector<16xf32>
      %add3A_318 = arith.addf %add3A_309, %get3A_317 : vector<16xf32>
      %mul3A_319 = arith.constant 8 : i32
      %mul3A_320 = arith.muli %scan3A_171, %mul3A_319 : i32
      %add3A_321 = arith.constant 0 : i32
      %add3A_322 = arith.addi %mul3A_320, %add3A_321 : i32
      %get3A_323 = arith.index_cast %add3A_322 : i32 to index
      %get3A_324 = arith.constant 32 : index
      %get3A_325 = tpu.vector_load %arg7[%get3A_323, %get3A_324] {strides = array<i32>} : memref<200x128xf32, #tpu.memory_space<vmem>>, vector<1x16xf32>,
      %get3A_326 = vector.shape_cast %get3A_325 : vector<1x16xf32> to vector<16xf32>
      %add3A_327 = arith.addf %scan3A_174, %get3A_326 : vector<16xf32>
      %mul3A_328 = arith.constant 8 : i32
      %mul3A_329 = arith.muli %scan3A_171, %mul3A_328 : i32
      %add3A_330 = arith.constant 1 : i32
      %add3A_331 = arith.addi %mul3A_329, %add3A_330 : i32
      %get3A_332 = arith.index_cast %add3A_331 : i32 to index
      %get3A_333 = arith.constant 32 : index
      %get3A_334 = tpu.vector_load %arg7[%get3A_332, %get3A_333] {strides = array<i32>} : memref<200x128xf32, #tpu.memory_space<vmem>>, vector<1x16xf32>,
      %get3A_335 = vector.shape_cast %get3A_334 : vector<1x16xf32> to vector<16xf32>
      %add3A_336 = arith.addf %add3A_327, %get3A_335 : vector<16xf32>
      %mul3A_337 = arith.constant 8 : i32
      %mul3A_338 = arith.muli %scan3A_171, %mul3A_337 : i32
      %add3A_339 = arith.constant 2 : i32
      %add3A_340 = arith.addi %mul3A_338, %add3A_339 : i32
      %get3A_341 = arith.index_cast %add3A_340 : i32 to index
      %get3A_342 = arith.constant 32 : index
      %get3A_343 = tpu.vector_load %arg7[%get3A_341, %get3A_342] {strides = array<i32>} : memref<200x128xf32, #tpu.memory_space<vmem>>, vector<1x16xf32>,
      %get3A_344 = vector.shape_cast %get3A_343 : vector<1x16xf32> to vector<16xf32>
      %add3A_345 = arith.addf %add3A_336, %get3A_344 : vector<16xf32>
      %mul3A_346 = arith.constant 8 : i32
      %mul3A_347 = arith.muli %scan3A_171, %mul3A_346 : i32
      %add3A_348 = arith.constant 3 : i32
      %add3A_349 = arith.addi %mul3A_347, %add3A_348 : i32
      %get3A_350 = arith.index_cast %add3A_349 : i32 to index
      %get3A_351 = arith.constant 32 : index
      %get3A_352 = tpu.vector_load %arg7[%get3A_350, %get3A_351] {strides = array<i32>} : memref<200x128xf32, #tpu.memory_space<vmem>>, vector<1x16xf32>,
      %get3A_353 = vector.shape_cast %get3A_352 : vector<1x16xf32> to vector<16xf32>
      %add3A_354 = arith.addf %add3A_345, %get3A_353 : vector<16xf32>
      %mul3A_355 = arith.constant 8 : i32
      %mul3A_356 = arith.muli %scan3A_171, %mul3A_355 : i32
      %add3A_357 = arith.constant 4 : i32
      %add3A_358 = arith.addi %mul3A_356, %add3A_357 : i32
      %get3A_359 = arith.index_cast %add3A_358 : i32 to index
      %get3A_360 = arith.constant 32 : index
      %get3A_361 = tpu.vector_load %arg7[%get3A_359, %get3A_360] {strides = array<i32>} : memref<200x128xf32, #tpu.memory_space<vmem>>, vector<1x16xf32>,
      %get3A_362 = vector.shape_cast %get3A_361 : vector<1x16xf32> to vector<16xf32>
      %add3A_363 = arith.addf %add3A_354, %get3A_362 : vector<16xf32>
      %mul3A_364 = arith.constant 8 : i32
      %mul3A_365 = arith.muli %scan3A_171, %mul3A_364 : i32
      %add3A_366 = arith.constant 5 : i32
      %add3A_367 = arith.addi %mul3A_365, %add3A_366 : i32
      %get3A_368 = arith.index_cast %add3A_367 : i32 to index
      %get3A_369 = arith.constant 32 : index
      %get3A_370 = tpu.vector_load %arg7[%get3A_368, %get3A_369] {strides = array<i32>} : memref<200x128xf32, #tpu.memory_space<vmem>>, vector<1x16xf32>,
      %get3A_371 = vector.shape_cast %get3A_370 : vector<1x16xf32> to vector<16xf32>
      %add3A_372 = arith.addf %add3A_363, %get3A_371 : vector<16xf32>
      %mul3A_373 = arith.constant 8 : i32
      %mul3A_374 = arith.muli %scan3A_171, %mul3A_373 : i32
      %add3A_375 = arith.constant 6 : i32
      %add3A_376 = arith.addi %mul3A_374, %add3A_375 : i32
      %get3A_377 = arith.index_cast %add3A_376 : i32 to index
      %get3A_378 = arith.constant 32 : index
      %get3A_379 = tpu.vector_load %arg7[%get3A_377, %get3A_378] {strides = array<i32>} : memref<200x128xf32, #tpu.memory_space<vmem>>, vector<1x16xf32>,
      %get3A_380 = vector.shape_cast %get3A_379 : vector<1x16xf32> to vector<16xf32>
      %add3A_381 = arith.addf %add3A_372, %get3A_380 : vector<16xf32>
      %mul3A_382 = arith.constant 8 : i32
      %mul3A_383 = arith.muli %scan3A_171, %mul3A_382 : i32
      %add3A_384 = arith.constant 7 : i32
      %add3A_385 = arith.addi %mul3A_383, %add3A_384 : i32
      %get3A_386 = arith.index_cast %add3A_385 : i32 to index
      %get3A_387 = arith.constant 32 : index
      %get3A_388 = tpu.vector_load %arg7[%get3A_386, %get3A_387] {strides = array<i32>} : memref<200x128xf32, #tpu.memory_space<vmem>>, vector<1x16xf32>,
      %get3A_389 = vector.shape_cast %get3A_388 : vector<1x16xf32> to vector<16xf32>
      %add3A_390 = arith.addf %add3A_381, %get3A_389 : vector<16xf32>
      %mul3A_391 = arith.constant 8 : i32
      %mul3A_392 = arith.muli %scan3A_171, %mul3A_391 : i32
      %add3A_393 = arith.constant 0 : i32
      %add3A_394 = arith.addi %mul3A_392, %add3A_393 : i32
      %get3A_395 = arith.index_cast %add3A_394 : i32 to index
      %get3A_396 = arith.constant 48 : index
      %get3A_397 = tpu.vector_load %arg7[%get3A_395, %get3A_396] {strides = array<i32>} : memref<200x128xf32, #tpu.memory_space<vmem>>, vector<1x16xf32>,
      %get3A_398 = vector.shape_cast %get3A_397 : vector<1x16xf32> to vector<16xf32>
      %add3A_399 = arith.addf %scan3A_175, %get3A_398 : vector<16xf32>
      %mul3A_400 = arith.constant 8 : i32
      %mul3A_401 = arith.muli %scan3A_171, %mul3A_400 : i32
      %add3A_402 = arith.constant 1 : i32
      %add3A_403 = arith.addi %mul3A_401, %add3A_402 : i32
      %get3A_404 = arith.index_cast %add3A_403 : i32 to index
      %get3A_405 = arith.constant 48 : index
      %get3A_406 = tpu.vector_load %arg7[%get3A_404, %get3A_405] {strides = array<i32>} : memref<200x128xf32, #tpu.memory_space<vmem>>, vector<1x16xf32>,
      %get3A_407 = vector.shape_cast %get3A_406 : vector<1x16xf32> to vector<16xf32>
      %add3A_408 = arith.addf %add3A_399, %get3A_407 : vector<16xf32>
      %mul3A_409 = arith.constant 8 : i32
      %mul3A_410 = arith.muli %scan3A_171, %mul3A_409 : i32
      %add3A_411 = arith.constant 2 : i32
      %add3A_412 = arith.addi %mul3A_410, %add3A_411 : i32
      %get3A_413 = arith.index_cast %add3A_412 : i32 to index
      %get3A_414 = arith.constant 48 : index
      %get3A_415 = tpu.vector_load %arg7[%get3A_413, %get3A_414] {strides = array<i32>} : memref<200x128xf32, #tpu.memory_space<vmem>>, vector<1x16xf32>,
      %get3A_416 = vector.shape_cast %get3A_415 : vector<1x16xf32> to vector<16xf32>
      %add3A_417 = arith.addf %add3A_408, %get3A_416 : vector<16xf32>
      %mul3A_418 = arith.constant 8 : i32
      %mul3A_419 = arith.muli %scan3A_171, %mul3A_418 : i32
      %add3A_420 = arith.constant 3 : i32
      %add3A_421 = arith.addi %mul3A_419, %add3A_420 : i32
      %get3A_422 = arith.index_cast %add3A_421 : i32 to index
      %get3A_423 = arith.constant 48 : index
      %get3A_424 = tpu.vector_load %arg7[%get3A_422, %get3A_423] {strides = array<i32>} : memref<200x128xf32, #tpu.memory_space<vmem>>, vector<1x16xf32>,
      %get3A_425 = vector.shape_cast %get3A_424 : vector<1x16xf32> to vector<16xf32>
      %add3A_426 = arith.addf %add3A_417, %get3A_425 : vector<16xf32>
      %mul3A_427 = arith.constant 8 : i32
      %mul3A_428 = arith.muli %scan3A_171, %mul3A_427 : i32
      %add3A_429 = arith.constant 4 : i32
      %add3A_430 = arith.addi %mul3A_428, %add3A_429 : i32
      %get3A_431 = arith.index_cast %add3A_430 : i32 to index
      %get3A_432 = arith.constant 48 : index
      %get3A_433 = tpu.vector_load %arg7[%get3A_431, %get3A_432] {strides = array<i32>} : memref<200x128xf32, #tpu.memory_space<vmem>>, vector<1x16xf32>,
      %get3A_434 = vector.shape_cast %get3A_433 : vector<1x16xf32> to vector<16xf32>
      %add3A_435 = arith.addf %add3A_426, %get3A_434 : vector<16xf32>
      %mul3A_436 = arith.constant 8 : i32
      %mul3A_437 = arith.muli %scan3A_171, %mul3A_436 : i32
      %add3A_438 = arith.constant 5 : i32
      %add3A_439 = arith.addi %mul3A_437, %add3A_438 : i32
      %get3A_440 = arith.index_cast %add3A_439 : i32 to index
      %get3A_441 = arith.constant 48 : index
      %get3A_442 = tpu.vector_load %arg7[%get3A_440, %get3A_441] {strides = array<i32>} : memref<200x128xf32, #tpu.memory_space<vmem>>, vector<1x16xf32>,
      %get3A_443 = vector.shape_cast %get3A_442 : vector<1x16xf32> to vector<16xf32>
      %add3A_444 = arith.addf %add3A_435, %get3A_443 : vector<16xf32>
      %mul3A_445 = arith.constant 8 : i32
      %mul3A_446 = arith.muli %scan3A_171, %mul3A_445 : i32
      %add3A_447 = arith.constant 6 : i32
      %add3A_448 = arith.addi %mul3A_446, %add3A_447 : i32
      %get3A_449 = arith.index_cast %add3A_448 : i32 to index
      %get3A_450 = arith.constant 48 : index
      %get3A_451 = tpu.vector_load %arg7[%get3A_449, %get3A_450] {strides = array<i32>} : memref<200x128xf32, #tpu.memory_space<vmem>>, vector<1x16xf32>,
      %get3A_452 = vector.shape_cast %get3A_451 : vector<1x16xf32> to vector<16xf32>
      %add3A_453 = arith.addf %add3A_444, %get3A_452 : vector<16xf32>
      %mul3A_454 = arith.constant 8 : i32
      %mul3A_455 = arith.muli %scan3A_171, %mul3A_454 : i32
      %add3A_456 = arith.constant 7 : i32
      %add3A_457 = arith.addi %mul3A_455, %add3A_456 : i32
      %get3A_458 = arith.index_cast %add3A_457 : i32 to index
      %get3A_459 = arith.constant 48 : index
      %get3A_460 = tpu.vector_load %arg7[%get3A_458, %get3A_459] {strides = array<i32>} : memref<200x128xf32, #tpu.memory_space<vmem>>, vector<1x16xf32>,
      %get3A_461 = vector.shape_cast %get3A_460 : vector<1x16xf32> to vector<16xf32>
      %add3A_462 = arith.addf %add3A_453, %get3A_461 : vector<16xf32>
      scf.yield %add3A_246, %add3A_318, %add3A_390, %add3A_462 : vector<16xf32>, vector<16xf32>, vector<16xf32>, vector<16xf32>
    }
    %scan3A_71 = arith.constant 25 : i32
    %mul3A_72 = arith.constant 5.000000e-03 : f32
    %mul3A_73 = vector.broadcast %mul3A_72 : f32 to vector<16xf32>
    %mul3A_74 = arith.mulf %scan3A_70#0, %mul3A_73 : vector<16xf32>
    %swap3A = arith.constant 126 : i32
    %swap3A_75 = arith.index_cast %swap3A : i32 to index
    %swap3A_76 = arith.constant 0 : index
    %swap3A_77 = tpu.vector_load %arg10[%swap3A_75, %swap3A_76] {strides = array<i32>} : memref<128x128xf32, #tpu.memory_space<vmem>>, vector<1x16xf32>,
    %swap3A_78 = vector.shape_cast %swap3A_77 : vector<1x16xf32> to vector<16xf32>
    %swap3A_79 = vector.shape_cast %mul3A_74 : vector<16xf32> to vector<1x16xf32>
    tpu.vector_store %arg10[%swap3A_75, %swap3A_76], %swap3A_79 {strides = array<i32>} : memref<128x128xf32, #tpu.memory_space<vmem>>, vector<1x16xf32>,
    %mul3A_80 = arith.constant 5.000000e-03 : f32
    %mul3A_81 = vector.broadcast %mul3A_80 : f32 to vector<16xf32>
    %mul3A_82 = arith.mulf %scan3A_70#1, %mul3A_81 : vector<16xf32>
    %swap3A_83 = arith.constant 126 : i32
    %swap3A_84 = arith.index_cast %swap3A_83 : i32 to index
    %swap3A_85 = arith.constant 16 : index
    %swap3A_86 = tpu.vector_load %arg10[%swap3A_84, %swap3A_85] {strides = array<i32>} : memref<128x128xf32, #tpu.memory_space<vmem>>, vector<1x16xf32>,
    %swap3A_87 = vector.shape_cast %swap3A_86 : vector<1x16xf32> to vector<16xf32>
    %swap3A_88 = vector.shape_cast %mul3A_82 : vector<16xf32> to vector<1x16xf32>
    tpu.vector_store %arg10[%swap3A_84, %swap3A_85], %swap3A_88 {strides = array<i32>} : memref<128x128xf32, #tpu.memory_space<vmem>>, vector<1x16xf32>,
    %mul3A_89 = arith.constant 5.000000e-03 : f32
    %mul3A_90 = vector.broadcast %mul3A_89 : f32 to vector<16xf32>
    %mul3A_91 = arith.mulf %scan3A_70#2, %mul3A_90 : vector<16xf32>
    %swap3A_92 = arith.constant 126 : i32
    %swap3A_93 = arith.index_cast %swap3A_92 : i32 to index
    %swap3A_94 = arith.constant 32 : index
    %swap3A_95 = tpu.vector_load %arg10[%swap3A_93, %swap3A_94] {strides = array<i32>} : memref<128x128xf32, #tpu.memory_space<vmem>>, vector<1x16xf32>,
    %swap3A_96 = vector.shape_cast %swap3A_95 : vector<1x16xf32> to vector<16xf32>
    %swap3A_97 = vector.shape_cast %mul3A_91 : vector<16xf32> to vector<1x16xf32>
    tpu.vector_store %arg10[%swap3A_93, %swap3A_94], %swap3A_97 {strides = array<i32>} : memref<128x128xf32, #tpu.memory_space<vmem>>, vector<1x16xf32>,
    %mul3A_98 = arith.constant 5.000000e-03 : f32
    %mul3A_99 = vector.broadcast %mul3A_98 : f32 to vector<16xf32>
    %mul3A_100 = arith.mulf %scan3A_70#3, %mul3A_99 : vector<16xf32>
    %swap3A_101 = arith.constant 126 : i32
    %swap3A_102 = arith.index_cast %swap3A_101 : i32 to index
    %swap3A_103 = arith.constant 48 : index
    %swap3A_104 = tpu.vector_load %arg10[%swap3A_102, %swap3A_103] {strides = array<i32>} : memref<128x128xf32, #tpu.memory_space<vmem>>, vector<1x16xf32>,
    %swap3A_105 = vector.shape_cast %swap3A_104 : vector<1x16xf32> to vector<16xf32>
    %swap3A_106 = vector.shape_cast %mul3A_100 : vector<16xf32> to vector<1x16xf32>
    tpu.vector_store %arg10[%swap3A_102, %swap3A_103], %swap3A_106 {strides = array<i32>} : memref<128x128xf32, #tpu.memory_space<vmem>>, vector<1x16xf32>,
    %dma_wait3A_107 = arith.constant 127 : i32
    %dma_wait3A_108 = arith.constant 0 : i32
    %dma_wait3A_109 = arith.constant 0 : i32
    %dma_wait3A_110 = tpu.memref_slice %arg8[%dma_wait3A_108, %dma_wait3A_109] : memref<200x128xf32, #tpu.memory_space<vmem>> -> memref<128x128xf32, #tpu.memory_space<vmem>>
    %dma_wait3A_111 = arith.constant 0 : i32
    %dma_wait3A_112 = tpu.memref_slice %arg5[%dma_wait3A_107, %dma_wait3A_111] : memref<128x128xi32, #tpu.memory_space<vmem>> -> memref<1x128xi32, #tpu.memory_space<vmem>>
    %dma_wait3A_113 = tpu.memref_squeeze %dma_wait3A_112 : memref<1x128xi32, #tpu.memory_space<vmem>> -> memref<128xi32, #tpu.memory_space<vmem>>
    %dma_wait3A_114 = arith.constant 0 : i32
    %dma_wait3A_115 = arith.constant 0 : i32
    %dma_wait3A_116 = tpu.memref_slice %arg3[%dma_wait3A_114, %dma_wait3A_115] : memref<1000000x128xf32, #tpu.memory_space<hbm>> -> memref<1000000x128xf32, #tpu.memory_space<hbm>>
    tpu.wait_indirect_dma semaphore(%arg11 : memref<!tpu.dma_semaphore, #tpu.memory_space<semaphore_mem>>) src(%dma_wait3A_116 : memref<1000000x128xf32, #tpu.memory_space<hbm>>) dst(%dma_wait3A_110 : memref<128x128xf32, #tpu.memory_space<vmem>>)
    %dma_wait3A_117 = arith.constant 127 : i32
    %dma_wait3A_118 = arith.constant 128 : i32
    %dma_wait3A_119 = arith.constant 0 : i32
    %dma_wait3A_120 = tpu.memref_slice %arg8[%dma_wait3A_118, %dma_wait3A_119] : memref<200x128xf32, #tpu.memory_space<vmem>> -> memref<72x128xf32, #tpu.memory_space<vmem>>
    %dma_wait3A_121 = arith.constant 0 : i32
    %dma_wait3A_122 = tpu.memref_slice %arg6[%dma_wait3A_117, %dma_wait3A_121] : memref<128x128xi32, #tpu.memory_space<vmem>> -> memref<1x72xi32, #tpu.memory_space<vmem>>
    %dma_wait3A_123 = tpu.memref_squeeze %dma_wait3A_122 : memref<1x72xi32, #tpu.memory_space<vmem>> -> memref<72xi32, #tpu.memory_space<vmem>>
    %dma_wait3A_124 = arith.constant 0 : i32
    %dma_wait3A_125 = arith.constant 0 : i32
    %dma_wait3A_126 = tpu.memref_slice %arg3[%dma_wait3A_124, %dma_wait3A_125] : memref<1000000x128xf32, #tpu.memory_space<hbm>> -> memref<1000000x128xf32, #tpu.memory_space<hbm>>
    tpu.wait_indirect_dma semaphore(%arg11 : memref<!tpu.dma_semaphore, #tpu.memory_space<semaphore_mem>>) src(%dma_wait3A_126 : memref<1000000x128xf32, #tpu.memory_space<hbm>>) dst(%dma_wait3A_120 : memref<72x128xf32, #tpu.memory_space<vmem>>)
    %broadcast_in_dim3A_127 = arith.constant 0.000000e+00 : f32
    %broadcast_in_dim3A_128 = vector.broadcast %broadcast_in_dim3A_127 : f32 to vector<16xf32>
    %scan3A_129 = arith.constant 0 : i32
    %scan3A_130 = arith.constant 25 : i32
    %scan3A_131 = arith.addi %scan3A_129, %scan3A_130 : i32
    %scan3A_132 = arith.constant 1 : i32
    %scan3A_133:4 = scf.for %scan3A_171 = %scan3A_129 to %scan3A_131 step %scan3A_132 iter_args(%scan3A_172 = %broadcast_in_dim3A_128, %scan3A_173 = %broadcast_in_dim3A_128, %scan3A_174 = %broadcast_in_dim3A_128, %scan3A_175 = %broadcast_in_dim3A_128) -> (vector<16xf32>, vector<16xf32>, vector<16xf32>, vector<16xf32>)  : i32 {
      %mul3A_176 = arith.constant 8 : i32
      %mul3A_177 = arith.muli %scan3A_171, %mul3A_176 : i32
      %add3A_178 = arith.constant 0 : i32
      %add3A_179 = arith.addi %mul3A_177, %add3A_178 : i32
      %get3A = arith.index_cast %add3A_179 : i32 to index
      %get3A_180 = arith.constant 0 : index
      %get3A_181 = tpu.vector_load %arg8[%get3A, %get3A_180] {strides = array<i32>} : memref<200x128xf32, #tpu.memory_space<vmem>>, vector<1x16xf32>,
      %get3A_182 = vector.shape_cast %get3A_181 : vector<1x16xf32> to vector<16xf32>
      %add3A_183 = arith.addf %scan3A_172, %get3A_182 : vector<16xf32>
      %mul3A_184 = arith.constant 8 : i32
      %mul3A_185 = arith.muli %scan3A_171, %mul3A_184 : i32
      %add3A_186 = arith.constant 1 : i32
      %add3A_187 = arith.addi %mul3A_185, %add3A_186 : i32
      %get3A_188 = arith.index_cast %add3A_187 : i32 to index
      %get3A_189 = arith.constant 0 : index
      %get3A_190 = tpu.vector_load %arg8[%get3A_188, %get3A_189] {strides = array<i32>} : memref<200x128xf32, #tpu.memory_space<vmem>>, vector<1x16xf32>,
      %get3A_191 = vector.shape_cast %get3A_190 : vector<1x16xf32> to vector<16xf32>
      %add3A_192 = arith.addf %add3A_183, %get3A_191 : vector<16xf32>
      %mul3A_193 = arith.constant 8 : i32
      %mul3A_194 = arith.muli %scan3A_171, %mul3A_193 : i32
      %add3A_195 = arith.constant 2 : i32
      %add3A_196 = arith.addi %mul3A_194, %add3A_195 : i32
      %get3A_197 = arith.index_cast %add3A_196 : i32 to index
      %get3A_198 = arith.constant 0 : index
      %get3A_199 = tpu.vector_load %arg8[%get3A_197, %get3A_198] {strides = array<i32>} : memref<200x128xf32, #tpu.memory_space<vmem>>, vector<1x16xf32>,
      %get3A_200 = vector.shape_cast %get3A_199 : vector<1x16xf32> to vector<16xf32>
      %add3A_201 = arith.addf %add3A_192, %get3A_200 : vector<16xf32>
      %mul3A_202 = arith.constant 8 : i32
      %mul3A_203 = arith.muli %scan3A_171, %mul3A_202 : i32
      %add3A_204 = arith.constant 3 : i32
      %add3A_205 = arith.addi %mul3A_203, %add3A_204 : i32
      %get3A_206 = arith.index_cast %add3A_205 : i32 to index
      %get3A_207 = arith.constant 0 : index
      %get3A_208 = tpu.vector_load %arg8[%get3A_206, %get3A_207] {strides = array<i32>} : memref<200x128xf32, #tpu.memory_space<vmem>>, vector<1x16xf32>,
      %get3A_209 = vector.shape_cast %get3A_208 : vector<1x16xf32> to vector<16xf32>
      %add3A_210 = arith.addf %add3A_201, %get3A_209 : vector<16xf32>
      %mul3A_211 = arith.constant 8 : i32
      %mul3A_212 = arith.muli %scan3A_171, %mul3A_211 : i32
      %add3A_213 = arith.constant 4 : i32
      %add3A_214 = arith.addi %mul3A_212, %add3A_213 : i32
      %get3A_215 = arith.index_cast %add3A_214 : i32 to index
      %get3A_216 = arith.constant 0 : index
      %get3A_217 = tpu.vector_load %arg8[%get3A_215, %get3A_216] {strides = array<i32>} : memref<200x128xf32, #tpu.memory_space<vmem>>, vector<1x16xf32>,
      %get3A_218 = vector.shape_cast %get3A_217 : vector<1x16xf32> to vector<16xf32>
      %add3A_219 = arith.addf %add3A_210, %get3A_218 : vector<16xf32>
      %mul3A_220 = arith.constant 8 : i32
      %mul3A_221 = arith.muli %scan3A_171, %mul3A_220 : i32
      %add3A_222 = arith.constant 5 : i32
      %add3A_223 = arith.addi %mul3A_221, %add3A_222 : i32
      %get3A_224 = arith.index_cast %add3A_223 : i32 to index
      %get3A_225 = arith.constant 0 : index
      %get3A_226 = tpu.vector_load %arg8[%get3A_224, %get3A_225] {strides = array<i32>} : memref<200x128xf32, #tpu.memory_space<vmem>>, vector<1x16xf32>,
      %get3A_227 = vector.shape_cast %get3A_226 : vector<1x16xf32> to vector<16xf32>
      %add3A_228 = arith.addf %add3A_219, %get3A_227 : vector<16xf32>
      %mul3A_229 = arith.constant 8 : i32
      %mul3A_230 = arith.muli %scan3A_171, %mul3A_229 : i32
      %add3A_231 = arith.constant 6 : i32
      %add3A_232 = arith.addi %mul3A_230, %add3A_231 : i32
      %get3A_233 = arith.index_cast %add3A_232 : i32 to index
      %get3A_234 = arith.constant 0 : index
      %get3A_235 = tpu.vector_load %arg8[%get3A_233, %get3A_234] {strides = array<i32>} : memref<200x128xf32, #tpu.memory_space<vmem>>, vector<1x16xf32>,
      %get3A_236 = vector.shape_cast %get3A_235 : vector<1x16xf32> to vector<16xf32>
      %add3A_237 = arith.addf %add3A_228, %get3A_236 : vector<16xf32>
      %mul3A_238 = arith.constant 8 : i32
      %mul3A_239 = arith.muli %scan3A_171, %mul3A_238 : i32
      %add3A_240 = arith.constant 7 : i32
      %add3A_241 = arith.addi %mul3A_239, %add3A_240 : i32
      %get3A_242 = arith.index_cast %add3A_241 : i32 to index
      %get3A_243 = arith.constant 0 : index
      %get3A_244 = tpu.vector_load %arg8[%get3A_242, %get3A_243] {strides = array<i32>} : memref<200x128xf32, #tpu.memory_space<vmem>>, vector<1x16xf32>,
      %get3A_245 = vector.shape_cast %get3A_244 : vector<1x16xf32> to vector<16xf32>
      %add3A_246 = arith.addf %add3A_237, %get3A_245 : vector<16xf32>
      %mul3A_247 = arith.constant 8 : i32
      %mul3A_248 = arith.muli %scan3A_171, %mul3A_247 : i32
      %add3A_249 = arith.constant 0 : i32
      %add3A_250 = arith.addi %mul3A_248, %add3A_249 : i32
      %get3A_251 = arith.index_cast %add3A_250 : i32 to index
      %get3A_252 = arith.constant 16 : index
      %get3A_253 = tpu.vector_load %arg8[%get3A_251, %get3A_252] {strides = array<i32>} : memref<200x128xf32, #tpu.memory_space<vmem>>, vector<1x16xf32>,
      %get3A_254 = vector.shape_cast %get3A_253 : vector<1x16xf32> to vector<16xf32>
      %add3A_255 = arith.addf %scan3A_173, %get3A_254 : vector<16xf32>
      %mul3A_256 = arith.constant 8 : i32
      %mul3A_257 = arith.muli %scan3A_171, %mul3A_256 : i32
      %add3A_258 = arith.constant 1 : i32
      %add3A_259 = arith.addi %mul3A_257, %add3A_258 : i32
      %get3A_260 = arith.index_cast %add3A_259 : i32 to index
      %get3A_261 = arith.constant 16 : index
      %get3A_262 = tpu.vector_load %arg8[%get3A_260, %get3A_261] {strides = array<i32>} : memref<200x128xf32, #tpu.memory_space<vmem>>, vector<1x16xf32>,
      %get3A_263 = vector.shape_cast %get3A_262 : vector<1x16xf32> to vector<16xf32>
      %add3A_264 = arith.addf %add3A_255, %get3A_263 : vector<16xf32>
      %mul3A_265 = arith.constant 8 : i32
      %mul3A_266 = arith.muli %scan3A_171, %mul3A_265 : i32
      %add3A_267 = arith.constant 2 : i32
      %add3A_268 = arith.addi %mul3A_266, %add3A_267 : i32
      %get3A_269 = arith.index_cast %add3A_268 : i32 to index
      %get3A_270 = arith.constant 16 : index
      %get3A_271 = tpu.vector_load %arg8[%get3A_269, %get3A_270] {strides = array<i32>} : memref<200x128xf32, #tpu.memory_space<vmem>>, vector<1x16xf32>,
      %get3A_272 = vector.shape_cast %get3A_271 : vector<1x16xf32> to vector<16xf32>
      %add3A_273 = arith.addf %add3A_264, %get3A_272 : vector<16xf32>
      %mul3A_274 = arith.constant 8 : i32
      %mul3A_275 = arith.muli %scan3A_171, %mul3A_274 : i32
      %add3A_276 = arith.constant 3 : i32
      %add3A_277 = arith.addi %mul3A_275, %add3A_276 : i32
      %get3A_278 = arith.index_cast %add3A_277 : i32 to index
      %get3A_279 = arith.constant 16 : index
      %get3A_280 = tpu.vector_load %arg8[%get3A_278, %get3A_279] {strides = array<i32>} : memref<200x128xf32, #tpu.memory_space<vmem>>, vector<1x16xf32>,
      %get3A_281 = vector.shape_cast %get3A_280 : vector<1x16xf32> to vector<16xf32>
      %add3A_282 = arith.addf %add3A_273, %get3A_281 : vector<16xf32>
      %mul3A_283 = arith.constant 8 : i32
      %mul3A_284 = arith.muli %scan3A_171, %mul3A_283 : i32
      %add3A_285 = arith.constant 4 : i32
      %add3A_286 = arith.addi %mul3A_284, %add3A_285 : i32
      %get3A_287 = arith.index_cast %add3A_286 : i32 to index
      %get3A_288 = arith.constant 16 : index
      %get3A_289 = tpu.vector_load %arg8[%get3A_287, %get3A_288] {strides = array<i32>} : memref<200x128xf32, #tpu.memory_space<vmem>>, vector<1x16xf32>,
      %get3A_290 = vector.shape_cast %get3A_289 : vector<1x16xf32> to vector<16xf32>
      %add3A_291 = arith.addf %add3A_282, %get3A_290 : vector<16xf32>
      %mul3A_292 = arith.constant 8 : i32
      %mul3A_293 = arith.muli %scan3A_171, %mul3A_292 : i32
      %add3A_294 = arith.constant 5 : i32
      %add3A_295 = arith.addi %mul3A_293, %add3A_294 : i32
      %get3A_296 = arith.index_cast %add3A_295 : i32 to index
      %get3A_297 = arith.constant 16 : index
      %get3A_298 = tpu.vector_load %arg8[%get3A_296, %get3A_297] {strides = array<i32>} : memref<200x128xf32, #tpu.memory_space<vmem>>, vector<1x16xf32>,
      %get3A_299 = vector.shape_cast %get3A_298 : vector<1x16xf32> to vector<16xf32>
      %add3A_300 = arith.addf %add3A_291, %get3A_299 : vector<16xf32>
      %mul3A_301 = arith.constant 8 : i32
      %mul3A_302 = arith.muli %scan3A_171, %mul3A_301 : i32
      %add3A_303 = arith.constant 6 : i32
      %add3A_304 = arith.addi %mul3A_302, %add3A_303 : i32
      %get3A_305 = arith.index_cast %add3A_304 : i32 to index
      %get3A_306 = arith.constant 16 : index
      %get3A_307 = tpu.vector_load %arg8[%get3A_305, %get3A_306] {strides = array<i32>} : memref<200x128xf32, #tpu.memory_space<vmem>>, vector<1x16xf32>,
      %get3A_308 = vector.shape_cast %get3A_307 : vector<1x16xf32> to vector<16xf32>
      %add3A_309 = arith.addf %add3A_300, %get3A_308 : vector<16xf32>
      %mul3A_310 = arith.constant 8 : i32
      %mul3A_311 = arith.muli %scan3A_171, %mul3A_310 : i32
      %add3A_312 = arith.constant 7 : i32
      %add3A_313 = arith.addi %mul3A_311, %add3A_312 : i32
      %get3A_314 = arith.index_cast %add3A_313 : i32 to index
      %get3A_315 = arith.constant 16 : index
      %get3A_316 = tpu.vector_load %arg8[%get3A_314, %get3A_315] {strides = array<i32>} : memref<200x128xf32, #tpu.memory_space<vmem>>, vector<1x16xf32>,
      %get3A_317 = vector.shape_cast %get3A_316 : vector<1x16xf32> to vector<16xf32>
      %add3A_318 = arith.addf %add3A_309, %get3A_317 : vector<16xf32>
      %mul3A_319 = arith.constant 8 : i32
      %mul3A_320 = arith.muli %scan3A_171, %mul3A_319 : i32
      %add3A_321 = arith.constant 0 : i32
      %add3A_322 = arith.addi %mul3A_320, %add3A_321 : i32
      %get3A_323 = arith.index_cast %add3A_322 : i32 to index
      %get3A_324 = arith.constant 32 : index
      %get3A_325 = tpu.vector_load %arg8[%get3A_323, %get3A_324] {strides = array<i32>} : memref<200x128xf32, #tpu.memory_space<vmem>>, vector<1x16xf32>,
      %get3A_326 = vector.shape_cast %get3A_325 : vector<1x16xf32> to vector<16xf32>
      %add3A_327 = arith.addf %scan3A_174, %get3A_326 : vector<16xf32>
      %mul3A_328 = arith.constant 8 : i32
      %mul3A_329 = arith.muli %scan3A_171, %mul3A_328 : i32
      %add3A_330 = arith.constant 1 : i32
      %add3A_331 = arith.addi %mul3A_329, %add3A_330 : i32
      %get3A_332 = arith.index_cast %add3A_331 : i32 to index
      %get3A_333 = arith.constant 32 : index
      %get3A_334 = tpu.vector_load %arg8[%get3A_332, %get3A_333] {strides = array<i32>} : memref<200x128xf32, #tpu.memory_space<vmem>>, vector<1x16xf32>,
      %get3A_335 = vector.shape_cast %get3A_334 : vector<1x16xf32> to vector<16xf32>
      %add3A_336 = arith.addf %add3A_327, %get3A_335 : vector<16xf32>
      %mul3A_337 = arith.constant 8 : i32
      %mul3A_338 = arith.muli %scan3A_171, %mul3A_337 : i32
      %add3A_339 = arith.constant 2 : i32
      %add3A_340 = arith.addi %mul3A_338, %add3A_339 : i32
      %get3A_341 = arith.index_cast %add3A_340 : i32 to index
      %get3A_342 = arith.constant 32 : index
      %get3A_343 = tpu.vector_load %arg8[%get3A_341, %get3A_342] {strides = array<i32>} : memref<200x128xf32, #tpu.memory_space<vmem>>, vector<1x16xf32>,
      %get3A_344 = vector.shape_cast %get3A_343 : vector<1x16xf32> to vector<16xf32>
      %add3A_345 = arith.addf %add3A_336, %get3A_344 : vector<16xf32>
      %mul3A_346 = arith.constant 8 : i32
      %mul3A_347 = arith.muli %scan3A_171, %mul3A_346 : i32
      %add3A_348 = arith.constant 3 : i32
      %add3A_349 = arith.addi %mul3A_347, %add3A_348 : i32
      %get3A_350 = arith.index_cast %add3A_349 : i32 to index
      %get3A_351 = arith.constant 32 : index
      %get3A_352 = tpu.vector_load %arg8[%get3A_350, %get3A_351] {strides = array<i32>} : memref<200x128xf32, #tpu.memory_space<vmem>>, vector<1x16xf32>,
      %get3A_353 = vector.shape_cast %get3A_352 : vector<1x16xf32> to vector<16xf32>
      %add3A_354 = arith.addf %add3A_345, %get3A_353 : vector<16xf32>
      %mul3A_355 = arith.constant 8 : i32
      %mul3A_356 = arith.muli %scan3A_171, %mul3A_355 : i32
      %add3A_357 = arith.constant 4 : i32
      %add3A_358 = arith.addi %mul3A_356, %add3A_357 : i32
      %get3A_359 = arith.index_cast %add3A_358 : i32 to index
      %get3A_360 = arith.constant 32 : index
      %get3A_361 = tpu.vector_load %arg8[%get3A_359, %get3A_360] {strides = array<i32>} : memref<200x128xf32, #tpu.memory_space<vmem>>, vector<1x16xf32>,
      %get3A_362 = vector.shape_cast %get3A_361 : vector<1x16xf32> to vector<16xf32>
      %add3A_363 = arith.addf %add3A_354, %get3A_362 : vector<16xf32>
      %mul3A_364 = arith.constant 8 : i32
      %mul3A_365 = arith.muli %scan3A_171, %mul3A_364 : i32
      %add3A_366 = arith.constant 5 : i32
      %add3A_367 = arith.addi %mul3A_365, %add3A_366 : i32
      %get3A_368 = arith.index_cast %add3A_367 : i32 to index
      %get3A_369 = arith.constant 32 : index
      %get3A_370 = tpu.vector_load %arg8[%get3A_368, %get3A_369] {strides = array<i32>} : memref<200x128xf32, #tpu.memory_space<vmem>>, vector<1x16xf32>,
      %get3A_371 = vector.shape_cast %get3A_370 : vector<1x16xf32> to vector<16xf32>
      %add3A_372 = arith.addf %add3A_363, %get3A_371 : vector<16xf32>
      %mul3A_373 = arith.constant 8 : i32
      %mul3A_374 = arith.muli %scan3A_171, %mul3A_373 : i32
      %add3A_375 = arith.constant 6 : i32
      %add3A_376 = arith.addi %mul3A_374, %add3A_375 : i32
      %get3A_377 = arith.index_cast %add3A_376 : i32 to index
      %get3A_378 = arith.constant 32 : index
      %get3A_379 = tpu.vector_load %arg8[%get3A_377, %get3A_378] {strides = array<i32>} : memref<200x128xf32, #tpu.memory_space<vmem>>, vector<1x16xf32>,
      %get3A_380 = vector.shape_cast %get3A_379 : vector<1x16xf32> to vector<16xf32>
      %add3A_381 = arith.addf %add3A_372, %get3A_380 : vector<16xf32>
      %mul3A_382 = arith.constant 8 : i32
      %mul3A_383 = arith.muli %scan3A_171, %mul3A_382 : i32
      %add3A_384 = arith.constant 7 : i32
      %add3A_385 = arith.addi %mul3A_383, %add3A_384 : i32
      %get3A_386 = arith.index_cast %add3A_385 : i32 to index
      %get3A_387 = arith.constant 32 : index
      %get3A_388 = tpu.vector_load %arg8[%get3A_386, %get3A_387] {strides = array<i32>} : memref<200x128xf32, #tpu.memory_space<vmem>>, vector<1x16xf32>,
      %get3A_389 = vector.shape_cast %get3A_388 : vector<1x16xf32> to vector<16xf32>
      %add3A_390 = arith.addf %add3A_381, %get3A_389 : vector<16xf32>
      %mul3A_391 = arith.constant 8 : i32
      %mul3A_392 = arith.muli %scan3A_171, %mul3A_391 : i32
      %add3A_393 = arith.constant 0 : i32
      %add3A_394 = arith.addi %mul3A_392, %add3A_393 : i32
      %get3A_395 = arith.index_cast %add3A_394 : i32 to index
      %get3A_396 = arith.constant 48 : index
      %get3A_397 = tpu.vector_load %arg8[%get3A_395, %get3A_396] {strides = array<i32>} : memref<200x128xf32, #tpu.memory_space<vmem>>, vector<1x16xf32>,
      %get3A_398 = vector.shape_cast %get3A_397 : vector<1x16xf32> to vector<16xf32>
      %add3A_399 = arith.addf %scan3A_175, %get3A_398 : vector<16xf32>
      %mul3A_400 = arith.constant 8 : i32
      %mul3A_401 = arith.muli %scan3A_171, %mul3A_400 : i32
      %add3A_402 = arith.constant 1 : i32
      %add3A_403 = arith.addi %mul3A_401, %add3A_402 : i32
      %get3A_404 = arith.index_cast %add3A_403 : i32 to index
      %get3A_405 = arith.constant 48 : index
      %get3A_406 = tpu.vector_load %arg8[%get3A_404, %get3A_405] {strides = array<i32>} : memref<200x128xf32, #tpu.memory_space<vmem>>, vector<1x16xf32>,
      %get3A_407 = vector.shape_cast %get3A_406 : vector<1x16xf32> to vector<16xf32>
      %add3A_408 = arith.addf %add3A_399, %get3A_407 : vector<16xf32>
      %mul3A_409 = arith.constant 8 : i32
      %mul3A_410 = arith.muli %scan3A_171, %mul3A_409 : i32
      %add3A_411 = arith.constant 2 : i32
      %add3A_412 = arith.addi %mul3A_410, %add3A_411 : i32
      %get3A_413 = arith.index_cast %add3A_412 : i32 to index
      %get3A_414 = arith.constant 48 : index
      %get3A_415 = tpu.vector_load %arg8[%get3A_413, %get3A_414] {strides = array<i32>} : memref<200x128xf32, #tpu.memory_space<vmem>>, vector<1x16xf32>,
      %get3A_416 = vector.shape_cast %get3A_415 : vector<1x16xf32> to vector<16xf32>
      %add3A_417 = arith.addf %add3A_408, %get3A_416 : vector<16xf32>
      %mul3A_418 = arith.constant 8 : i32
      %mul3A_419 = arith.muli %scan3A_171, %mul3A_418 : i32
      %add3A_420 = arith.constant 3 : i32
      %add3A_421 = arith.addi %mul3A_419, %add3A_420 : i32
      %get3A_422 = arith.index_cast %add3A_421 : i32 to index
      %get3A_423 = arith.constant 48 : index
      %get3A_424 = tpu.vector_load %arg8[%get3A_422, %get3A_423] {strides = array<i32>} : memref<200x128xf32, #tpu.memory_space<vmem>>, vector<1x16xf32>,
      %get3A_425 = vector.shape_cast %get3A_424 : vector<1x16xf32> to vector<16xf32>
      %add3A_426 = arith.addf %add3A_417, %get3A_425 : vector<16xf32>
      %mul3A_427 = arith.constant 8 : i32
      %mul3A_428 = arith.muli %scan3A_171, %mul3A_427 : i32
      %add3A_429 = arith.constant 4 : i32
      %add3A_430 = arith.addi %mul3A_428, %add3A_429 : i32
      %get3A_431 = arith.index_cast %add3A_430 : i32 to index
      %get3A_432 = arith.constant 48 : index
      %get3A_433 = tpu.vector_load %arg8[%get3A_431, %get3A_432] {strides = array<i32>} : memref<200x128xf32, #tpu.memory_space<vmem>>, vector<1x16xf32>,
      %get3A_434 = vector.shape_cast %get3A_433 : vector<1x16xf32> to vector<16xf32>
      %add3A_435 = arith.addf %add3A_426, %get3A_434 : vector<16xf32>
      %mul3A_436 = arith.constant 8 : i32
      %mul3A_437 = arith.muli %scan3A_171, %mul3A_436 : i32
      %add3A_438 = arith.constant 5 : i32
      %add3A_439 = arith.addi %mul3A_437, %add3A_438 : i32
      %get3A_440 = arith.index_cast %add3A_439 : i32 to index
      %get3A_441 = arith.constant 48 : index
      %get3A_442 = tpu.vector_load %arg8[%get3A_440, %get3A_441] {strides = array<i32>} : memref<200x128xf32, #tpu.memory_space<vmem>>, vector<1x16xf32>,
      %get3A_443 = vector.shape_cast %get3A_442 : vector<1x16xf32> to vector<16xf32>
      %add3A_444 = arith.addf %add3A_435, %get3A_443 : vector<16xf32>
      %mul3A_445 = arith.constant 8 : i32
      %mul3A_446 = arith.muli %scan3A_171, %mul3A_445 : i32
      %add3A_447 = arith.constant 6 : i32
      %add3A_448 = arith.addi %mul3A_446, %add3A_447 : i32
      %get3A_449 = arith.index_cast %add3A_448 : i32 to index
      %get3A_450 = arith.constant 48 : index
      %get3A_451 = tpu.vector_load %arg8[%get3A_449, %get3A_450] {strides = array<i32>} : memref<200x128xf32, #tpu.memory_space<vmem>>, vector<1x16xf32>,
      %get3A_452 = vector.shape_cast %get3A_451 : vector<1x16xf32> to vector<16xf32>
      %add3A_453 = arith.addf %add3A_444, %get3A_452 : vector<16xf32>
      %mul3A_454 = arith.constant 8 : i32
      %mul3A_455 = arith.muli %scan3A_171, %mul3A_454 : i32
      %add3A_456 = arith.constant 7 : i32
      %add3A_457 = arith.addi %mul3A_455, %add3A_456 : i32
      %get3A_458 = arith.index_cast %add3A_457 : i32 to index
      %get3A_459 = arith.constant 48 : index
      %get3A_460 = tpu.vector_load %arg8[%get3A_458, %get3A_459] {strides = array<i32>} : memref<200x128xf32, #tpu.memory_space<vmem>>, vector<1x16xf32>,
      %get3A_461 = vector.shape_cast %get3A_460 : vector<1x16xf32> to vector<16xf32>
      %add3A_462 = arith.addf %add3A_453, %get3A_461 : vector<16xf32>
      scf.yield %add3A_246, %add3A_318, %add3A_390, %add3A_462 : vector<16xf32>, vector<16xf32>, vector<16xf32>, vector<16xf32>
    }
    %scan3A_134 = arith.constant 25 : i32
    %mul3A_135 = arith.constant 5.000000e-03 : f32
    %mul3A_136 = vector.broadcast %mul3A_135 : f32 to vector<16xf32>
    %mul3A_137 = arith.mulf %scan3A_133#0, %mul3A_136 : vector<16xf32>
    %swap3A_138 = arith.constant 127 : i32
    %swap3A_139 = arith.index_cast %swap3A_138 : i32 to index
    %swap3A_140 = arith.constant 0 : index
    %swap3A_141 = tpu.vector_load %arg10[%swap3A_139, %swap3A_140] {strides = array<i32>} : memref<128x128xf32, #tpu.memory_space<vmem>>, vector<1x16xf32>,
    %swap3A_142 = vector.shape_cast %swap3A_141 : vector<1x16xf32> to vector<16xf32>
    %swap3A_143 = vector.shape_cast %mul3A_137 : vector<16xf32> to vector<1x16xf32>
    tpu.vector_store %arg10[%swap3A_139, %swap3A_140], %swap3A_143 {strides = array<i32>} : memref<128x128xf32, #tpu.memory_space<vmem>>, vector<1x16xf32>,
    %mul3A_144 = arith.constant 5.000000e-03 : f32
    %mul3A_145 = vector.broadcast %mul3A_144 : f32 to vector<16xf32>
    %mul3A_146 = arith.mulf %scan3A_133#1, %mul3A_145 : vector<16xf32>
    %swap3A_147 = arith.constant 127 : i32
    %swap3A_148 = arith.index_cast %swap3A_147 : i32 to index
    %swap3A_149 = arith.constant 16 : index
    %swap3A_150 = tpu.vector_load %arg10[%swap3A_148, %swap3A_149] {strides = array<i32>} : memref<128x128xf32, #tpu.memory_space<vmem>>, vector<1x16xf32>,
    %swap3A_151 = vector.shape_cast %swap3A_150 : vector<1x16xf32> to vector<16xf32>
    %swap3A_152 = vector.shape_cast %mul3A_146 : vector<16xf32> to vector<1x16xf32>
    tpu.vector_store %arg10[%swap3A_148, %swap3A_149], %swap3A_152 {strides = array<i32>} : memref<128x128xf32, #tpu.memory_space<vmem>>, vector<1x16xf32>,
    %mul3A_153 = arith.constant 5.000000e-03 : f32
    %mul3A_154 = vector.broadcast %mul3A_153 : f32 to vector<16xf32>
    %mul3A_155 = arith.mulf %scan3A_133#2, %mul3A_154 : vector<16xf32>
    %swap3A_156 = arith.constant 127 : i32
    %swap3A_157 = arith.index_cast %swap3A_156 : i32 to index
    %swap3A_158 = arith.constant 32 : index
    %swap3A_159 = tpu.vector_load %arg10[%swap3A_157, %swap3A_158] {strides = array<i32>} : memref<128x128xf32, #tpu.memory_space<vmem>>, vector<1x16xf32>,
    %swap3A_160 = vector.shape_cast %swap3A_159 : vector<1x16xf32> to vector<16xf32>
    %swap3A_161 = vector.shape_cast %mul3A_155 : vector<16xf32> to vector<1x16xf32>
    tpu.vector_store %arg10[%swap3A_157, %swap3A_158], %swap3A_161 {strides = array<i32>} : memref<128x128xf32, #tpu.memory_space<vmem>>, vector<1x16xf32>,
    %mul3A_162 = arith.constant 5.000000e-03 : f32
    %mul3A_163 = vector.broadcast %mul3A_162 : f32 to vector<16xf32>
    %mul3A_164 = arith.mulf %scan3A_133#3, %mul3A_163 : vector<16xf32>
    %swap3A_165 = arith.constant 127 : i32
    %swap3A_166 = arith.index_cast %swap3A_165 : i32 to index
    %swap3A_167 = arith.constant 48 : index
    %swap3A_168 = tpu.vector_load %arg10[%swap3A_166, %swap3A_167] {strides = array<i32>} : memref<128x128xf32, #tpu.memory_space<vmem>>, vector<1x16xf32>,
    %swap3A_169 = vector.shape_cast %swap3A_168 : vector<1x16xf32> to vector<16xf32>
    %swap3A_170 = vector.shape_cast %mul3A_164 : vector<16xf32> to vector<1x16xf32>
    tpu.vector_store %arg10[%swap3A_166, %swap3A_167], %swap3A_170 {strides = array<i32>} : memref<128x128xf32, #tpu.memory_space<vmem>>, vector<1x16xf32>,
    "tpu.region"() ({
      %run_scoped3A = tpu.sem_alloc : memref<!tpu.dma_semaphore, #tpu.memory_space<semaphore_mem>>
      %dma_start3A_171 = arith.constant 0 : i32
      %dma_start3A_172 = arith.constant 0 : i32
      %dma_start3A_173 = tpu.memref_slice %arg10[%dma_start3A_171, %dma_start3A_172] : memref<128x128xf32, #tpu.memory_space<vmem>> -> memref<128x128xf32, #tpu.memory_space<vmem>>
      %dma_start3A_174 = arith.constant 0 : i32
      %dma_start3A_175 = tpu.memref_slice %arg4[%mul3A_2, %dma_start3A_174] : memref<4096x128xf32, #tpu.memory_space<hbm>> -> memref<128x128xf32, #tpu.memory_space<hbm>>
      %dma_start3A_176 = arith.constant 0 : i32
      %dma_start3A_177 = tpu.memref_slice %arg4[%mul3A_2, %dma_start3A_176] : memref<4096x128xf32, #tpu.memory_space<hbm>> -> memref<128x128xf32, #tpu.memory_space<hbm>>
      %dma_start3A_178 = arith.constant 0 : i32
      %dma_start3A_179 = arith.constant 0 : i32
      %dma_start3A_180 = tpu.memref_slice %arg10[%dma_start3A_178, %dma_start3A_179] : memref<128x128xf32, #tpu.memory_space<vmem>> -> memref<128x128xf32, #tpu.memory_space<vmem>>
      tpu.enqueue_dma source(%dma_start3A_180 : memref<128x128xf32, #tpu.memory_space<vmem>>) target(%dma_start3A_177 : memref<128x128xf32, #tpu.memory_space<hbm>>) target_semaphore(%run_scoped3A : memref<!tpu.dma_semaphore, #tpu.memory_space<semaphore_mem>>)
      %dma_wait3A_181 = arith.constant 0 : i32
      %dma_wait3A_182 = arith.constant 0 : i32
      %dma_wait3A_183 = tpu.memref_slice %arg10[%dma_wait3A_181, %dma_wait3A_182] : memref<128x128xf32, #tpu.memory_space<vmem>> -> memref<128x128xf32, #tpu.memory_space<vmem>>
      %dma_wait3A_184 = arith.constant 0 : i32
      %dma_wait3A_185 = tpu.memref_slice %arg4[%mul3A_2, %dma_wait3A_184] : memref<4096x128xf32, #tpu.memory_space<hbm>> -> memref<128x128xf32, #tpu.memory_space<hbm>>
      %dma_wait3A_186 = arith.constant 0 : i32
      %dma_wait3A_187 = tpu.memref_slice %arg4[%mul3A_2, %dma_wait3A_186] : memref<4096x128xf32, #tpu.memory_space<hbm>> -> memref<128x128xf32, #tpu.memory_space<hbm>>
      %dma_wait3A_188 = arith.constant 0 : i32
      %dma_wait3A_189 = arith.constant 0 : i32
      %dma_wait3A_190 = tpu.memref_slice %arg10[%dma_wait3A_188, %dma_wait3A_189] : memref<128x128xf32, #tpu.memory_space<vmem>> -> memref<128x128xf32, #tpu.memory_space<vmem>>
      tpu.wait_dma2 semaphore(%run_scoped3A : memref<!tpu.dma_semaphore, #tpu.memory_space<semaphore_mem>>) src(%dma_wait3A_190 : memref<128x128xf32, #tpu.memory_space<vmem>>) dst(%dma_wait3A_187 : memref<128x128xf32, #tpu.memory_space<hbm>>)
      tpu.yield
    }) : () -> ()
    return
  }
}

module attributes {stable_mosaic.version = 14 : i64} {
  func.func @_repack_block(%arg0: i32, %arg1: memref<64x16384xf32, #tpu.memory_space<vmem>>, %arg2: memref<16384x128xf32, #tpu.memory_space<vmem>>) attributes {dimension_semantics = [#tpu.dimension_semantics<arbitrary>], iteration_bounds = array<i64: 62>, scalar_prefetch = 0 : i64, scratch_operands = 0 : i64, tpu.core_type = #tpu.core_type<tc>, window_params = [{transform_indices = @transform_0, window_bounds = array<i64: 64, 16384>}, {transform_indices = @transform_1, window_bounds = array<i64: 16384, 128>}]} {
    %get3A = arith.constant 0 : index
    %get3A_0 = arith.constant 0 : index
    %get3A_1 = vector.load %arg1[%get3A, %get3A_0] : memref<64x16384xf32, #tpu.memory_space<vmem>>, vector<64x16384xf32>
    %transpose3A = tpu.transpose %get3A_1, [1, 0] : vector<64x16384xf32> -> vector<16384x64xf32>
    %swap3A = arith.constant 0 : index
    %swap3A_2 = arith.constant 0 : index
    %swap3A_3 = vector.load %arg2[%swap3A, %swap3A_2] : memref<16384x128xf32, #tpu.memory_space<vmem>>, vector<16384x64xf32>
    tpu.vector_store %arg2[%swap3A, %swap3A_2], %transpose3A {strides = array<i32>} : memref<16384x128xf32, #tpu.memory_space<vmem>>, vector<16384x64xf32>,
    return
  }
  func.func @transform_0(%arg0: i32) -> (i32, i32) {
    %c0_i32 = arith.constant 0 : i32
    %c0_i32_0 = arith.constant 0 : i32
    return %c0_i32, %arg0 : i32, i32
  }
  func.func @transform_1(%arg0: i32) -> (i32, i32) {
    %c0_i32 = arith.constant 0 : i32
    %c0_i32_0 = arith.constant 0 : i32
    return %arg0, %c0_i32 : i32, i32
  }
}

</mosaic_0001>

<sc_bundles>
// kernel: kernel.4.cloned.1.call-start
scs
__scs_entry_jumppad:
0x0: {  	(pc) =	sbr.rel $0x88, $3  }
0x1: {  	(tag) =	ssettag $0x0;
	lr =	simm.s32 $0x1  }
0x2: {  	[smem:$0x3F9F] =	sst lr;
	_ =	strace $0xD0000000  }
0x3: {  	_ = 	snop  }
0x4: {  	_ = 	snop  }
0x5: {  	_ = 	snop  }
0x6: {  	_ = 	snop  }
0x7: {  	_ = 	snop  }
__scs_overlays_trampoline_lowered:
0x8: {  	[smem:$0x3FAE] =	sst s0  }
0x9: {  	[smem:$0x3FAF] =	sst s1  }
0xa: {  	[smem:$0x3FB0] =	sst s2  }
0xb: {  	[smem:$0x3FB1] =	sst s3  }
0xc: {  	[smem:$0x3FB2] =	sst s4  }
0xd: {  	[smem:$0x3FB3] =	sst s5  }
0xe: {  	[smem:$0x3FB4] =	sst s6  }
0xf: {  	[smem:$0x3FB5] =	sst s7  }
0x10: {  	[smem:$0x3FB6] =	sst s8  }
0x11: {  	[smem:$0x3FB7] =	sst s9;
	s0 =	simm.s32 @!p0 $0x0  }
0x12: {  	s1 =	sld [smem:$0x3F9D];
	s0 =	simm.s32 @p0 $0x1  }
0x13: {  	[smem:$0x3FB8] =	sst s0;
	s0 =	simm.s32 @!p1 $0x0  }
0x14: {  	s2 =	sld [smem:$0x3F9C];
	s0 =	simm.s32 @p1 $0x1  }
0x15: {  	[smem:$0x3FB9] =	sst s0;
	s0 =	simm.s32 @!p2 $0x0  }
0x16: {  	s3 =	sld [smem:$0x3FDB];
	s0 =	simm.s32 @p2 $0x1  }
0x17: {  	s4 =	simm.s32 $0x1BF5;
	[smem:$0x3FBB] =	sst s0  }
0x18: {  	s0 =	sld [smem:$0x3F9E];
	_ =	swait.ge [sflag:s4], $0x0  }
0x19: {  	s7 =	sld [smem:$0x3F9F]  }
0x1a: {  	s8 =	sadd.s32 $0xFFFFE003, lr  }
0x1b: {  	s9 =	sadd.s32 $0xFFFFFEF7, lr;
	s5 =	simm.s32 $0xFFFFFFFF;
	p2 =	slt.u32 s8, $0xFFFFF086  }
0x1c: {  	p1 =	slt.u32 s9, $0xF7A;
	s5 =	simm.s32 @!p2 $0x0  }
0x1d: {  	s5 =	simm.s32 @p1 $0x1;
	p0 =	seq.s32 s7, s2  }
0x1e: {  	s7 =	smul.u32 @!p0 $0xF7A, s2;
	p2 =	seq.s32 @!p0 s5, $0x0  }
0x1f: {  	s9 =	smul.u32 $0xF7A, s1;
	s8 =	simm.s32 @!p0 $0x1BF5;
	p2 =	por !p2, p0  }
0x20: {  	[sflag:s8] =	ssyncset.s32 @!p0 $0xFFFFF086;
	s6 =	sadd.s32 @!p0 s3, s7;
	s7 =	simm.s32 @!p0 $0x108  }
0x21: {  	s3 =	sadd.s32 s3, s9;
	s6 =	sadd.s32 @!p0 $0x88, s6;
	s7 =	simm.s32 @p2 $0x1082  }
0x22: {  	[simem:s7], [sflag:s8] =	dma.local @!p0 [hbm:s6], $0xF7A  }
0x23: {  	s9 =	sor.u32 $0xD0000000, s2;
	s6 =	simm.s32 $0x108;
	_ =	swait.ge @!p0 [sflag:s8], $0x0  }
0x24: {  	s3 =	sadd.s32 $0x88, s3;
	s6 =	simm.s32 @!p1 $0x1082;
	[sflag:s4] =	ssyncset.s32 $0xFFFFF086  }
0x25: {  	[simem:s6], [sflag:s4] =	dma.local [hbm:s3], $0xF7A  }
0x26: {  	[smem:$0x3F9F] =	sst s1;
	(tag) =	ssettag s2;
	_ =	strace s9  }
0x27: {  	s1 =	sld [smem:$0x3FAF]  }
0x28: {  	s2 =	sld [smem:$0x3FB0]  }
0x29: {  	s4 =	sld [smem:$0x3FB2]  }
0x2a: {  	p0 =	seq.s32 s5, $0x0;
	s5 =	sld [smem:$0x3FB3]  }
0x2b: {  	s6 =	sld [smem:$0x3FB4]  }
0x2c: {  	s7 =	sld [smem:$0x3FB5]  }
0x2d: {  	s3 =	simm.s32 $0x108;
	s8 =	sld [smem:$0x3FB6]  }
0x2e: {  	s3 =	simm.s32 @!p0 $0x1082;
	s9 =	sld [smem:$0x3FB7]  }
0x2f: {  	lr =	sadd.s32 s0, s3;
	s0 =	sld [smem:$0x3FAE]  }
0x30: {  	s3 =	sld [smem:$0x3FB1]  }
0x31: {  	[smem:$0x3FBA] =	sst s10  }
0x32: {  	s10 =	sld [smem:$0x3FB8];
	_ =	sdelay $0x3  }
0x33: {  	p0 =	seq.s32 s10, $0x1;
	s10 =	sld [smem:$0x3FBA];
	_ =	sdelay $0x3  }
0x34: {  	[smem:$0x3FBA] =	sst s10  }
0x35: {  	s10 =	sld [smem:$0x3FB9];
	_ =	sdelay $0x3  }
0x36: {  	p1 =	seq.s32 s10, $0x1;
	s10 =	sld [smem:$0x3FBA];
	_ =	sdelay $0x3  }
0x37: {  	[smem:$0x3FBA] =	sst s10  }
0x38: {  	s10 =	sld [smem:$0x3FBB]  }
0x39: {  	_ = 	snop;
	(pc) =	sbr.ind lr, $3  }
0x3a: {  	_ = 	snop  }
0x3b: {  	_ = 	snop  }
0x3c: {  	p2 =	seq.s32 s10, $0x1;
	s10 =	sld [smem:$0x3FBA]  }
0x3d: {  	_ =	shalt  }
0x3e: {  	_ =	shalt  }
0x3f: {  	_ =	shalt  }
0x40: {  	_ =	shalt  }
0x41: {  	_ =	shalt  }
0x42: {  	_ =	shalt  }
0x43: {  	_ =	shalt  }
0x44: {  	_ =	shalt  }
0x45: {  	_ =	shalt  }
0x46: {  	_ =	shalt  }
0x47: {  	_ =	shalt  }
0x48: {  	_ =	shalt  }
0x49: {  	_ =	shalt  }
0x4a: {  	_ =	shalt  }
0x4b: {  	_ =	shalt  }
0x4c: {  	_ =	shalt  }
0x4d: {  	_ =	shalt  }
0x4e: {  	_ =	shalt  }
0x4f: {  	_ =	shalt  }
0x50: {  	_ =	shalt  }
0x51: {  	_ =	shalt  }
0x52: {  	_ =	shalt  }
0x53: {  	_ =	shalt  }
0x54: {  	_ =	shalt  }
0x55: {  	_ =	shalt  }
0x56: {  	_ =	shalt  }
0x57: {  	_ =	shalt  }
0x58: {  	_ =	shalt  }
0x59: {  	_ =	shalt  }
0x5a: {  	_ =	shalt  }
0x5b: {  	_ =	shalt  }
0x5c: {  	_ =	shalt  }
0x5d: {  	_ =	shalt  }
0x5e: {  	_ =	shalt  }
0x5f: {  	_ =	shalt  }
0x60: {  	_ =	shalt  }
0x61: {  	_ =	shalt  }
0x62: {  	_ =	shalt  }
0x63: {  	_ =	shalt  }
0x64: {  	_ =	shalt  }
0x65: {  	_ =	shalt  }
0x66: {  	_ =	shalt  }
0x67: {  	_ =	shalt  }
0x68: {  	_ =	shalt  }
0x69: {  	_ =	shalt  }
0x6a: {  	_ =	shalt  }
0x6b: {  	_ =	shalt  }
0x6c: {  	_ =	shalt  }
0x6d: {  	_ =	shalt  }
0x6e: {  	_ =	shalt  }
0x6f: {  	_ =	shalt  }
0x70: {  	_ =	shalt  }
0x71: {  	_ =	shalt  }
0x72: {  	_ =	shalt  }
0x73: {  	_ =	shalt  }
0x74: {  	_ =	shalt  }
0x75: {  	_ =	shalt  }
0x76: {  	_ =	shalt  }
0x77: {  	_ =	shalt  }
0x78: {  	_ =	shalt  }
0x79: {  	_ =	shalt  }
0x7a: {  	_ =	shalt  }
0x7b: {  	_ =	shalt  }
0x7c: {  	_ =	shalt  }
0x7d: {  	_ =	shalt  }
0x7e: {  	_ =	shalt  }
0x7f: {  	_ =	shalt  }
0x80: {  	_ =	shalt  }
0x81: {  	_ =	shalt  }
0x82: {  	_ =	shalt  }
0x83: {  	_ =	shalt  }
0x84: {  	_ =	shalt  }
0x85: {  	_ =	shalt  }
0x86: {  	_ =	shalt  }
0x87: {  	_ =	shalt  }
.Lfunc_end0:
.L_simem_size_0:
called_computation_lowered:
.L_overlay_start_0:
0x88: {  	s2 =	sld [smem:$0x3FD9]  }
0x89: {  	s3 =	sld [smem:$0x3FFE];
	_ =	sdelay $0x1  }
0x8a: {  	s1 =	srdreg.scid  }
0x8b: {  	s0 =	sand.u32 $0x1, s1  }
0x8c: {  	s16 =	sshll.u32 s0, $0xA;
	s2 =	sadd.s32 s3, s2  }
0x8d: {  	s2 =	sadd.s32 s2, s16  }
0x8e: {  	[smem:$0x3FC6] =	sst s2  }
0x8f: {  	_ = 	snop  }
0x90: {  	(tm) =	ssettm $0x1  }
0x91: {  	s17 =	sld [smem:$0x3FFB];
	_ =	sdelay $0x3  }
0x92: {  	_ =	strace s17  }
0x93: {  	s2 =	sld [smem:$0x3FFC];
	_ =	sdelay $0x3  }
0x94: {  	_ =	strace s2  }
0x95: {  	s2 =	sld [smem:$0x3FFD];
	_ =	sdelay $0x3  }
0x96: {  	_ =	strace s2  }
0x97: {  	_ =	strace $0x8FFFFFFF  }
0x98: {  	s18 =	sld [smem:$0x3FDB];
	_ =	sdelay $0x1  }
0x99: {  	s19 =	simm.s32 $_scs_section_size  }
0x9a: {  	s4 =	simm.s32 $_size__tile_overlayer_lowered;
	s5 =	simm.s32 $_tile_overlayer_lowered  }
0x9b: {  	s22 =	simm.s32 $0x1BFF;
	s21 =	sshll.u32 s5, $0x1;
	s2 =	sadd.s32 s19, s18  }
0x9c: {  	s6 =	simm.s32 $0x0;
	s20 =	sshll.u32 s4, $0x1;
	s4 =	sadd.s32 s21, s2  }
0x9d: {  	[timem:s6], [sflag:s22] =	dma.local [hbm:s4], s20  }
0x9e: {  	_ =	swait.ge [sflag:s22], s20  }
0x9f: {  	s3 =	ssub.s32 $0x0, s20;
	[sflag:s22] =	ssyncset.done $0x0  }
0xa0: {  	[sflag:s22] =	ssyncadd.s32 s3;
	_ =	sdelay $0x1  }
0xa1: {  	s23 =	simm.s32 $0x1B8B  }
0xa2: {  	_ =	swait.ge [sflag:s23], $0x1  }
0xa3: {  	[sflag:s23] =	ssyncset.done $0x0  }
0xa4: {  	s25 =	simm.s32 $0x1B8E;
	s24 =	sld [smem:$0x3FFE];
	[sflag:s23] =	ssyncadd.s32 $0xFFFFFFFF  }
0xa5: {  	s26 =	simm.s32 $execute0_lowered;
	[smem:$0x3FD2] =	sst s25  }
0xa6: {  	s4 =	sshll.u32 s26, $0x1;
	_ =	strace $0x80000046;
	[dreg:$0x1] =	wrdreg $0xFFFFFFFF  }
0xa7: {  	s28 =	simm.s32 $_size_execute0_lowered;
	s2 =	sadd.s32 s2, s4;
	[dreg:$0x0] =	wrdreg $0x0  }
0xa8: {  	s4 =	sshll.u32 s28, $0x1;
	[dreg:$0x2] =	wrdreg s2  }
0xa9: {  	[dreg:$0x3] =	wrdreg s4  }
0xaa: {  	[dreg:$0x4] =	wrdreg $0xC0  }
0xab: {  	_ =	task [dreg:s6], $0x5FFFF  }
0xac: {  	[dreg:$0x1] =	wrdreg $0xFFFFFFFF  }
0xad: {  	[dreg:$0x0] =	wrdreg $0x60  }
0xae: {  	[dreg:$0x2] =	wrdreg s24  }
0xaf: {  	[dreg:$0x3] =	wrdreg $0x9  }
0xb0: {  	_ =	task.clear_ibuf [dreg:s6], $0x4FFFF;
	_ =	strace $0x90000046  }
0xb1: {  	s29 =	simm.s32 $0x9;
	_ =	strace $0x80000048  }
0xb2: {  	_ =	swait.ge [sflag:s29], $0x1  }
0xb3: {  	[sflag:s29] =	ssyncadd.s32 $0xFFFFFFFF  }
0xb4: {  	_ =	strace $0x90000048  }
0xb5: {  	_ =	sfence  }
0xb6: {  	s30 =	sld [smem:$0x0];
	_ =	sdelay $0x2  }
0xb7: {  	s31 =	sshll.u32 s1, $0xD;
	s1 =	sshrl.u32 s1, $0x2  }
0xb8: {  	s3 =	sand.u32 $0x4000, s31;
	s1 =	sadd.s32 s1, s30  }
0xb9: {  	s0 =	sor.u32 s3, s0;
	s1 =	sshll.u32 s1, $0x11  }
0xba: {  	s0 =	sor.u32 s1, s0  }
0xbb: {  	s0 =	sadd.s32 $0x8F2B, s0  }
0xbc: {  	[sflag:s0] =	ssyncadd.remote.s32 $0x1  }
0xbd: {  	_ =	sfence.sel $0xFFFF  }
0xbe: {  	[dreg:$0x0] =	wrdreg $0xFFFFFFFF;
	(pc) =	sbr.abs _section_cstart, $3  }
0xbf: {  	[dreg:$0x1] =	wrdreg $0xFFFFFFFF  }
0xc0: {  	_ =	task.clear_ibuf [dreg:s6], $0x2FFFF;
	_ =	strace $0x9FFFFFFF  }
0xc1: {  	(tm) =	ssettm $0x7FFFFFFF  }
tec
execute0_lowered:
.L_overlay_start_1:
0x0: {  	(tag) =	ssettag $0x1  }
0x1: {  	s4 =	rddreg [dreg:$0x0]  }
0x2: {  	s2 =	srdreg.scid;
	s0 =	rddreg [dreg:$0x1]  }
0x3: {  	s1 =	stileid.u32;
	s9 =	simm.s32 $0x800;
	s10 =	simm.s32 $0x2  }
0x4: {  	s11 =	simm.s32 $0x4000;
	s12 =	simm.s32 $0x80;
	s13 =	simm.s32 $0x8000  }
0x5: {  	s14 =	simm.s32 $0x48;
	s15 =	simm.s32 $0xC000;
	s16 =	simm.s32 $0xE400  }
0x6: {  	s17 =	simm.s32 $0x4080;
	s18 =	simm.s32 $0x12400;
	s19 =	simm.s32 $0x14800  }
0x7: {  	s20 =	simm.s32 $0x18800;
	s21 =	simm.s32 $0x1;
	s22 =	simm.s32 $0x1AC00  }
0x8: {  	s23 =	simm.s32 $0x0;
	s3 =	sand.u32 $0x1, s2;
	s2 =	simm.s32 $0x0  }
0x9: {  	s6 =	sshll.u32 s1, $0x7;
	s5 =	sshll.u32 s3, $0xB;
	[smem:$0x7FF] =	sst s2  }
0xa: {  	s7 =	ssub.s32 $0x2, s3;
	s3 =	sadd.s32 $0x20600, s4;
	s5 =	sor.u32 s6, s5  }
0xb: {  	_ =	strace $0x80000047;
	s31 =	sshrl.u32 s7, $0x1;
	s6 =	sshll.u32 s5, $0x5  }
0xc: {  	s5 =	sshll.u32 s5, $0x4;
	s7 =	ssub.s32 s7, s31;
	s6 =	sadd.s32 s6, s4  }
0xd: {  	s8 =	sadd.s32 s5, s4;
	s7 =	smax.u32 s7, $0x1;
	s4 =	sadd.s32 $0x600, s6  }
0xe: {  	s5 =	sadd.s32 $0x680, s6;
	s6 =	sadd.s32 $0xF62A00, s8;
	s8 =	simm.s32 $0x400  }
.LBB2_1:
0xf: {  	[tilespmem:s2], [sflag:$0x2] =	stream.strided.gather [hbm4b:s4+s8], $0x4000, s9, s8, $0x38;
	[tilespmem:$0x1EC00] =	vst v63  }
0x10: {  	_ =	swait.ge [sflag:s10], $0x4000  }
0x11: {  	[sflag:s10] =	ssyncset.done $0x0  }
0x12: {  	[sflag:s10] =	ssyncadd.s32 $0xFFFFC000  }
0x13: {  	[tilespmem:s11], [sflag:$0x2] =	stream.strided.gather [hbm4b:s5+s8], $0x4000, s9, s8, $0x38;
	[tilespmem:$0x1EC00] =	vst v63  }
0x14: {  	_ =	swait.ge [sflag:s10], $0x4000  }
0x15: {  	[sflag:s10] =	ssyncset.done $0x0  }
0x16: {  	[sflag:s10] =	ssyncadd.s32 $0xFFFFC000  }
0x17: {  	[tilespmem:s13], [sflag:$0x1] =	stream.indirect.gather [hbm4b:s3+s12], $0x80, s2, s12, $0xb8;
	[tilespmem:$0x1EC00] =	vst v63  }
0x18: {  	_ = 	snop  }
0x19: {  	[tilespmem:s15], [sflag:$0x1] =	stream.indirect.gather [hbm4b:s3+s14], $0x80, s11, s14, $0xb8;
	[tilespmem:$0x1EC00] =	vst v63  }
0x1a: {  	_ = 	snop  }
0x1b: {  	[tilespmem:s16], [sflag:$0x1] =	stream.indirect.gather [hbm4b:s3+s12], $0x80, s12, s12, $0xb8;
	[tilespmem:$0x1EC00] =	vst v63  }
0x1c: {  	s24 =	simm.s32 $0x0  }
0x1d: {  	[tilespmem:s18], [sflag:$0x1] =	stream.indirect.gather [hbm4b:s3+s14], $0x80, s17, s14, $0xb8;
	[tilespmem:$0x1EC00] =	vst v63  }
.LBB2_2:
0x1e: {  	s25 =	smul.u32 $0x180, s24;
	_ =	sdelay $0x1  }
0x1f: {  	s26 =	sadd.s32 $0x100, s25  }
0x20: {  	[tilespmem:s19], [sflag:$0x1] =	stream.indirect.gather [hbm4b:s3+s12], $0x80, s26, s12, $0xb8;
	[tilespmem:$0x1EC00] =	vst v63  }
0x21: {  	s28 =	sadd.s32 $0x4100, s25  }
0x22: {  	[tilespmem:s20], [sflag:$0x1] =	stream.indirect.gather [hbm4b:s3+s14], $0x80, s28, s14, $0xb8;
	[tilespmem:$0x1EC00] =	vst v63  }
0x23: {  	_ =	swait.ge [sflag:s21], $0x4000  }
0x24: {  	[sflag:s21] =	ssyncset.done $0x0  }
0x25: {  	[sflag:s21] =	ssyncadd.s32 $0xFFFFC000  }
0x26: {  	_ =	swait.ge [sflag:s21], $0x2400  }
0x27: {  	[sflag:s21] =	ssyncset.done $0x0  }
0x28: {  	s28 =	simm.s32 $0x0;
	[sflag:s21] =	ssyncadd.s32 $0xFFFFDC00  }
0x29: {  	v0 =	vld [tilespmem:s28+$0x8380]  }
0x2a: {  	v1 =	vld [tilespmem:s28+$0x8390]  }
0x2b: {  	v2 =	vld [tilespmem:s28+$0x8300]  }
0x2c: {  	v3 =	vld [tilespmem:s28+$0x8310]  }
0x2d: {  	v4 =	vld [tilespmem:s28+$0x8280]  }
0x2e: {  	v5 =	vld [tilespmem:s28+$0x8290]  }
0x2f: {  	v6 =	vld [tilespmem:s28+$0x8200]  }
0x30: {  	v7 =	vld [tilespmem:s28+$0x8210]  }
0x31: {  	v9 =	vld [tilespmem:s28+$0x8180]  }
0x32: {  	v8 =	vld [tilespmem:s28+$0x8190]  }
0x33: {  	v11 =	vld [tilespmem:s28+$0x8100]  }
0x34: {  	v10 =	vld [tilespmem:s28+$0x8110]  }
0x35: {  	v17 =	vld [tilespmem:s28+$0x8080]  }
0x36: {  	v16 =	vld [tilespmem:s28+$0x8090]  }
0x37: {  	v19 =	vld [tilespmem:s28+$0x8000]  }
0x38: {  	v13 =	vimm.f32 $0.0e+00;
	v20 =	vld [tilespmem:s28+$0x8010]  }
0x39: {  	s29 =	simm.s32 $0x1000;
	v15 =	vimm.f32 $0.0e+00;
	v14 =	vimm.f32 $0.0e+00;
	v12 =	vimm.f32 $0.0e+00;
	v18 =	vld [tilespmem:s28+$0x8020]  }
.LBB2_3:
0x3a: {  	p0 =	sne.s32 s29, $0x18000;
	v21 =	vld [tilespmem:s28+$0x8030]  }
0x3b: {  	v22 =	vld [tilespmem:s28+$0x80A0]  }
0x3c: {  	v23 =	vld [tilespmem:s28+$0x80B0]  }
0x3d: {  	v24 =	vld [tilespmem:s28+$0x8120]  }
0x3e: {  	v13 =	vadd.f32 v19, v13;
	v15 =	vadd.f32 v20, v15;
	v19 =	vld [tilespmem:s28+$0x8130]  }
0x3f: {  	v14 =	vadd.f32 v18, v14;
	v18 =	vld [tilespmem:s28+$0x81A0];
	v12 =	vadd.f32 v21, v12  }
0x40: {  	v13 =	vadd.f32 v17, v13;
	v15 =	vadd.f32 v16, v15;
	v16 =	vld [tilespmem:s28+$0x81B0]  }
0x41: {  	v14 =	vadd.f32 v22, v14;
	v17 =	vld [tilespmem:s28+$0x8220];
	v12 =	vadd.f32 v23, v12  }
0x42: {  	v11 =	vadd.f32 v11, v13;
	v10 =	vadd.f32 v10, v15;
	v13 =	vld [tilespmem:s28+$0x8230]  }
0x43: {  	v14 =	vadd.f32 v24, v14;
	v15 =	vld [tilespmem:s28+$0x82A0];
	v12 =	vadd.f32 v19, v12  }
0x44: {  	v9 =	vadd.f32 v9, v11;
	v8 =	vadd.f32 v8, v10;
	v10 =	vld [tilespmem:s28+$0x82B0]  }
0x45: {  	v11 =	vadd.f32 v18, v14;
	v14 =	vld [tilespmem:s28+$0x8320];
	v12 =	vadd.f32 v16, v12  }
0x46: {  	v6 =	vadd.f32 v6, v9;
	v7 =	vadd.f32 v7, v8;
	v8 =	vld [tilespmem:s28+$0x8330]  }
0x47: {  	v9 =	vadd.f32 v17, v11;
	v11 =	vld [tilespmem:s28+$0x83A0];
	v12 =	vadd.f32 v13, v12  }
0x48: {  	v4 =	vadd.f32 v4, v6;
	v5 =	vadd.f32 v5, v7;
	v6 =	vld [tilespmem:s28+$0x83B0];
	s28 =	sshra.s32 s29, $0x2  }
0x49: {  	v9 =	vadd.f32 v15, v9;
	v7 =	vld [tilespmem:s28+$0x8380];
	v10 =	vadd.f32 v10, v12  }
0x4a: {  	v4 =	vadd.f32 v2, v4;
	v5 =	vadd.f32 v3, v5;
	v16 =	vld [tilespmem:s28+$0x8390]  }
0x4b: {  	v9 =	vadd.f32 v14, v9;
	v2 =	vld [tilespmem:s28+$0x8300];
	v8 =	vadd.f32 v8, v10  }
0x4c: {  	v13 =	vadd.f32 v0, v4;
	v15 =	vadd.f32 v1, v5;
	v3 =	vld [tilespmem:s28+$0x8310]  }
0x4d: {  	v14 =	vadd.f32 v11, v9;
	v4 =	vld [tilespmem:s28+$0x8280];
	v12 =	vadd.f32 v6, v8  }
0x4e: {  	v5 =	vld [tilespmem:s28+$0x8290];
	v0 =	vmov v7  }
0x4f: {  	v6 =	vld [tilespmem:s28+$0x8200];
	v1 =	vmov v16  }
0x50: {  	v7 =	vld [tilespmem:s28+$0x8210]  }
0x51: {  	v9 =	vld [tilespmem:s28+$0x8180]  }
0x52: {  	v8 =	vld [tilespmem:s28+$0x8190]  }
0x53: {  	v11 =	vld [tilespmem:s28+$0x8100]  }
0x54: {  	v10 =	vld [tilespmem:s28+$0x8110]  }
.Ltmp0:
0x55: {  	v17 =	vld [tilespmem:s28+$0x8080];
	(pc) =	sbr.rel @p0 .LBB2_3-.Ltmp0, $4  }
0x56: {  	v16 =	vld [tilespmem:s28+$0x8090]  }
0x57: {  	v19 =	vld [tilespmem:s28+$0x8000]  }
0x58: {  	v20 =	vld [tilespmem:s28+$0x8010]  }
0x59: {  	s29 =	sadd.s32 $0x1000, s29;
	v18 =	vld [tilespmem:s28+$0x8020]  }
0x5a: {  	v21 =	vld [tilespmem:s28+$0x8030]  }
0x5b: {  	v22 =	vld [tilespmem:s28+$0x80A0]  }
0x5c: {  	v23 =	vld [tilespmem:s28+$0x80B0];
	v13 =	vadd.f32 v19, v13  }
0x5d: {  	v19 =	vld [tilespmem:s28+$0x8120];
	v15 =	vadd.f32 v20, v15  }
0x5e: {  	v20 =	vld [tilespmem:s28+$0x8130];
	v14 =	vadd.f32 v18, v14;
	v13 =	vadd.f32 v17, v13  }
0x5f: {  	v17 =	vld [tilespmem:s28+$0x81A0];
	v12 =	vadd.f32 v21, v12;
	v15 =	vadd.f32 v16, v15  }
0x60: {  	v16 =	vld [tilespmem:s28+$0x81B0];
	v14 =	vadd.f32 v22, v14;
	v11 =	vadd.f32 v11, v13  }
0x61: {  	v13 =	vld [tilespmem:s28+$0x8220];
	v12 =	vadd.f32 v23, v12;
	v10 =	vadd.f32 v10, v15  }
0x62: {  	v15 =	vld [tilespmem:s28+$0x8230];
	v14 =	vadd.f32 v19, v14;
	v9 =	vadd.f32 v9, v11  }
0x63: {  	v11 =	vld [tilespmem:s28+$0x82A0];
	v12 =	vadd.f32 v20, v12;
	v8 =	vadd.f32 v8, v10  }
0x64: {  	v10 =	vld [tilespmem:s28+$0x82B0];
	v14 =	vadd.f32 v17, v14;
	v6 =	vadd.f32 v6, v9  }
0x65: {  	v9 =	vld [tilespmem:s28+$0x8320];
	v12 =	vadd.f32 v16, v12;
	v7 =	vadd.f32 v7, v8  }
0x66: {  	v8 =	vld [tilespmem:s28+$0x8330];
	v13 =	vadd.f32 v13, v14;
	v4 =	vadd.f32 v4, v6  }
0x67: {  	v6 =	vld [tilespmem:s28+$0x83A0];
	v12 =	vadd.f32 v15, v12;
	v5 =	vadd.f32 v5, v7  }
0x68: {  	v7 =	vld [tilespmem:s28+$0x83B0];
	v11 =	vadd.f32 v11, v13;
	v2 =	vadd.f32 v2, v4  }
0x69: {  	v4 =	vadd.f32 v10, v12;
	v3 =	vadd.f32 v3, v5  }
0x6a: {  	v5 =	vadd.f32 v9, v11;
	v0 =	vadd.f32 v0, v2  }
0x6b: {  	v2 =	vadd.f32 v8, v4;
	v1 =	vadd.f32 v1, v3  }
0x6c: {  	v3 =	vadd.f32 v6, v5;
	v0 =	vmul.f32 $4.999999890e-03, v0  }
0x6d: {  	v2 =	vadd.f32 v7, v2;
	v1 =	vmul.f32 $4.999999890e-03, v1  }
0x6e: {  	[tilespmem:s25+$0x1AC00] =	vst v0;
	v0 =	vmul.f32 $4.999999890e-03, v3  }
0x6f: {  	[tilespmem:s25+$0x1AC10] =	vst v1;
	v1 =	vmul.f32 $4.999999890e-03, v2  }
0x70: {  	[tilespmem:s25+$0x1AC20] =	vst v0  }
0x71: {  	s28 =	sadd.s32 $0x180, s25;
	[tilespmem:s25+$0x1AC30] =	vst v1  }
0x72: {  	[tilespmem:s13], [sflag:$0x1] =	stream.indirect.gather [hbm4b:s3+s12], $0x80, s28, s12, $0xb8;
	[tilespmem:$0x1EC00] =	vst v63  }
0x73: {  	s28 =	sadd.s32 $0x4180, s25  }
0x74: {  	[tilespmem:s15], [sflag:$0x1] =	stream.indirect.gather [hbm4b:s3+s14], $0x80, s28, s14, $0xb8;
	[tilespmem:$0x1EC00] =	vst v63  }
0x75: {  	_ =	swait.ge [sflag:s21], $0x4000  }
0x76: {  	[sflag:s21] =	ssyncset.done $0x0  }
0x77: {  	[sflag:s21] =	ssyncadd.s32 $0xFFFFC000  }
0x78: {  	_ =	swait.ge [sflag:s21], $0x2400  }
0x79: {  	[sflag:s21] =	ssyncset.done $0x0  }
0x7a: {  	s28 =	simm.s32 $0x0;
	[sflag:s21] =	ssyncadd.s32 $0xFFFFDC00  }
0x7b: {  	v0 =	vld [tilespmem:s28+$0xE780]  }
0x7c: {  	v1 =	vld [tilespmem:s28+$0xE790]  }
0x7d: {  	v2 =	vld [tilespmem:s28+$0xE700]  }
0x7e: {  	v3 =	vld [tilespmem:s28+$0xE710]  }
0x7f: {  	v4 =	vld [tilespmem:s28+$0xE680]  }
0x80: {  	v5 =	vld [tilespmem:s28+$0xE690]  }
0x81: {  	v6 =	vld [tilespmem:s28+$0xE600]  }
0x82: {  	v7 =	vld [tilespmem:s28+$0xE610]  }
0x83: {  	v9 =	vld [tilespmem:s28+$0xE580]  }
0x84: {  	v8 =	vld [tilespmem:s28+$0xE590]  }
0x85: {  	v11 =	vld [tilespmem:s28+$0xE500]  }
0x86: {  	v10 =	vld [tilespmem:s28+$0xE510]  }
0x87: {  	v17 =	vld [tilespmem:s28+$0xE480]  }
0x88: {  	v16 =	vld [tilespmem:s28+$0xE490]  }
0x89: {  	v19 =	vld [tilespmem:s28+$0xE400]  }
0x8a: {  	v14 =	vimm.f32 $0.0e+00;
	v20 =	vld [tilespmem:s28+$0xE410]  }
0x8b: {  	s29 =	simm.s32 $0x1000;
	v15 =	vimm.f32 $0.0e+00;
	v13 =	vimm.f32 $0.0e+00;
	v12 =	vimm.f32 $0.0e+00;
	v18 =	vld [tilespmem:s28+$0xE420]  }
.LBB2_5:
0x8c: {  	p0 =	sne.s32 s29, $0x18000;
	v21 =	vld [tilespmem:s28+$0xE430]  }
0x8d: {  	v22 =	vld [tilespmem:s28+$0xE4A0]  }
0x8e: {  	v23 =	vld [tilespmem:s28+$0xE4B0]  }
0x8f: {  	v24 =	vld [tilespmem:s28+$0xE520]  }
0x90: {  	v13 =	vadd.f32 v19, v13;
	v15 =	vadd.f32 v20, v15;
	v19 =	vld [tilespmem:s28+$0xE530]  }
0x91: {  	v14 =	vadd.f32 v18, v14;
	v18 =	vld [tilespmem:s28+$0xE5A0];
	v12 =	vadd.f32 v21, v12  }
0x92: {  	v13 =	vadd.f32 v17, v13;
	v15 =	vadd.f32 v16, v15;
	v16 =	vld [tilespmem:s28+$0xE5B0]  }
0x93: {  	v14 =	vadd.f32 v22, v14;
	v17 =	vld [tilespmem:s28+$0xE620];
	v12 =	vadd.f32 v23, v12  }
0x94: {  	v11 =	vadd.f32 v11, v13;
	v10 =	vadd.f32 v10, v15;
	v13 =	vld [tilespmem:s28+$0xE630]  }
0x95: {  	v14 =	vadd.f32 v24, v14;
	v15 =	vld [tilespmem:s28+$0xE6A0];
	v12 =	vadd.f32 v19, v12  }
0x96: {  	v9 =	vadd.f32 v9, v11;
	v8 =	vadd.f32 v8, v10;
	v10 =	vld [tilespmem:s28+$0xE6B0]  }
0x97: {  	v11 =	vadd.f32 v18, v14;
	v14 =	vld [tilespmem:s28+$0xE720];
	v12 =	vadd.f32 v16, v12  }
0x98: {  	v6 =	vadd.f32 v6, v9;
	v7 =	vadd.f32 v7, v8;
	v8 =	vld [tilespmem:s28+$0xE730]  }
0x99: {  	v9 =	vadd.f32 v17, v11;
	v11 =	vld [tilespmem:s28+$0xE7A0];
	v12 =	vadd.f32 v13, v12  }
0x9a: {  	v4 =	vadd.f32 v4, v6;
	v5 =	vadd.f32 v5, v7;
	v6 =	vld [tilespmem:s28+$0xE7B0];
	s28 =	sshra.s32 s29, $0x2  }
0x9b: {  	v9 =	vadd.f32 v15, v9;
	v7 =	vld [tilespmem:s28+$0xE780];
	v10 =	vadd.f32 v10, v12  }
0x9c: {  	v4 =	vadd.f32 v2, v4;
	v5 =	vadd.f32 v3, v5;
	v16 =	vld [tilespmem:s28+$0xE790]  }
0x9d: {  	v9 =	vadd.f32 v14, v9;
	v2 =	vld [tilespmem:s28+$0xE700];
	v8 =	vadd.f32 v8, v10  }
0x9e: {  	v13 =	vadd.f32 v0, v4;
	v15 =	vadd.f32 v1, v5;
	v3 =	vld [tilespmem:s28+$0xE710]  }
0x9f: {  	v14 =	vadd.f32 v11, v9;
	v4 =	vld [tilespmem:s28+$0xE680];
	v12 =	vadd.f32 v6, v8  }
0xa0: {  	v5 =	vld [tilespmem:s28+$0xE690];
	v0 =	vmov v7  }
0xa1: {  	v6 =	vld [tilespmem:s28+$0xE600];
	v1 =	vmov v16  }
0xa2: {  	v7 =	vld [tilespmem:s28+$0xE610]  }
0xa3: {  	v9 =	vld [tilespmem:s28+$0xE580]  }
0xa4: {  	v8 =	vld [tilespmem:s28+$0xE590]  }
0xa5: {  	v11 =	vld [tilespmem:s28+$0xE500]  }
0xa6: {  	v10 =	vld [tilespmem:s28+$0xE510]  }
.Ltmp1:
0xa7: {  	v17 =	vld [tilespmem:s28+$0xE480];
	(pc) =	sbr.rel @p0 .LBB2_5-.Ltmp1, $4  }
0xa8: {  	v16 =	vld [tilespmem:s28+$0xE490]  }
0xa9: {  	v19 =	vld [tilespmem:s28+$0xE400]  }
0xaa: {  	v20 =	vld [tilespmem:s28+$0xE410]  }
0xab: {  	s29 =	sadd.s32 $0x1000, s29;
	v18 =	vld [tilespmem:s28+$0xE420]  }
0xac: {  	v21 =	vld [tilespmem:s28+$0xE430]  }
0xad: {  	v22 =	vld [tilespmem:s28+$0xE4A0]  }
0xae: {  	v23 =	vld [tilespmem:s28+$0xE4B0];
	v13 =	vadd.f32 v19, v13  }
0xaf: {  	v19 =	vld [tilespmem:s28+$0xE520];
	v15 =	vadd.f32 v20, v15  }
0xb0: {  	v20 =	vld [tilespmem:s28+$0xE530];
	v14 =	vadd.f32 v18, v14;
	v13 =	vadd.f32 v17, v13  }
0xb1: {  	v17 =	vld [tilespmem:s28+$0xE5A0];
	v12 =	vadd.f32 v21, v12;
	v15 =	vadd.f32 v16, v15  }
0xb2: {  	v16 =	vld [tilespmem:s28+$0xE5B0];
	v14 =	vadd.f32 v22, v14;
	v11 =	vadd.f32 v11, v13  }
0xb3: {  	v13 =	vld [tilespmem:s28+$0xE620];
	v12 =	vadd.f32 v23, v12;
	v10 =	vadd.f32 v10, v15  }
0xb4: {  	v15 =	vld [tilespmem:s28+$0xE630];
	v14 =	vadd.f32 v19, v14;
	v9 =	vadd.f32 v9, v11  }
0xb5: {  	v11 =	vld [tilespmem:s28+$0xE6A0];
	v12 =	vadd.f32 v20, v12;
	v8 =	vadd.f32 v8, v10  }
0xb6: {  	v10 =	vld [tilespmem:s28+$0xE6B0];
	v14 =	vadd.f32 v17, v14;
	v6 =	vadd.f32 v6, v9  }
0xb7: {  	v9 =	vld [tilespmem:s28+$0xE720];
	v12 =	vadd.f32 v16, v12;
	v7 =	vadd.f32 v7, v8  }
0xb8: {  	v8 =	vld [tilespmem:s28+$0xE730];
	v13 =	vadd.f32 v13, v14;
	v4 =	vadd.f32 v4, v6  }
0xb9: {  	v6 =	vld [tilespmem:s28+$0xE7A0];
	v12 =	vadd.f32 v15, v12;
	v5 =	vadd.f32 v5, v7  }
0xba: {  	v7 =	vld [tilespmem:s28+$0xE7B0];
	v11 =	vadd.f32 v11, v13;
	v2 =	vadd.f32 v2, v4  }
0xbb: {  	v4 =	vadd.f32 v10, v12;
	v3 =	vadd.f32 v3, v5  }
0xbc: {  	v5 =	vadd.f32 v9, v11;
	v0 =	vadd.f32 v0, v2  }
0xbd: {  	v2 =	vadd.f32 v8, v4;
	v1 =	vadd.f32 v1, v3  }
0xbe: {  	v3 =	vadd.f32 v6, v5;
	v0 =	vmul.f32 $4.999999890e-03, v0  }
0xbf: {  	v2 =	vadd.f32 v7, v2;
	v1 =	vmul.f32 $4.999999890e-03, v1  }
0xc0: {  	[tilespmem:s25+$0x1AC80] =	vst v0;
	v0 =	vmul.f32 $4.999999890e-03, v3  }
0xc1: {  	[tilespmem:s25+$0x1AC90] =	vst v1;
	v1 =	vmul.f32 $4.999999890e-03, v2  }
0xc2: {  	[tilespmem:s25+$0x1ACA0] =	vst v0  }
0xc3: {  	s28 =	sadd.s32 $0x200, s25;
	[tilespmem:s25+$0x1ACB0] =	vst v1  }
0xc4: {  	[tilespmem:s16], [sflag:$0x1] =	stream.indirect.gather [hbm4b:s3+s12], $0x80, s28, s12, $0xb8;
	[tilespmem:$0x1EC00] =	vst v63  }
0xc5: {  	s28 =	sadd.s32 $0x4200, s25  }
0xc6: {  	[tilespmem:s18], [sflag:$0x1] =	stream.indirect.gather [hbm4b:s3+s14], $0x80, s28, s14, $0xb8;
	[tilespmem:$0x1EC00] =	vst v63  }
0xc7: {  	_ =	swait.ge [sflag:s21], $0x4000  }
0xc8: {  	[sflag:s21] =	ssyncset.done $0x0  }
0xc9: {  	[sflag:s21] =	ssyncadd.s32 $0xFFFFC000  }
0xca: {  	_ =	swait.ge [sflag:s21], $0x2400  }
0xcb: {  	[sflag:s21] =	ssyncset.done $0x0  }
0xcc: {  	s28 =	simm.s32 $0x0;
	[sflag:s21] =	ssyncadd.s32 $0xFFFFDC00  }
0xcd: {  	v0 =	vld [tilespmem:s28+$0x14B80]  }
0xce: {  	v1 =	vld [tilespmem:s28+$0x14B90]  }
0xcf: {  	v2 =	vld [tilespmem:s28+$0x14B00]  }
0xd0: {  	v3 =	vld [tilespmem:s28+$0x14B10]  }
0xd1: {  	v4 =	vld [tilespmem:s28+$0x14A80]  }
0xd2: {  	v5 =	vld [tilespmem:s28+$0x14A90]  }
0xd3: {  	v6 =	vld [tilespmem:s28+$0x14A00]  }
0xd4: {  	v7 =	vld [tilespmem:s28+$0x14A10]  }
0xd5: {  	v9 =	vld [tilespmem:s28+$0x14980]  }
0xd6: {  	v8 =	vld [tilespmem:s28+$0x14990]  }
0xd7: {  	v11 =	vld [tilespmem:s28+$0x14900]  }
0xd8: {  	v10 =	vld [tilespmem:s28+$0x14910]  }
0xd9: {  	v17 =	vld [tilespmem:s28+$0x14880]  }
0xda: {  	v16 =	vld [tilespmem:s28+$0x14890]  }
0xdb: {  	v19 =	vld [tilespmem:s28+$0x14800]  }
0xdc: {  	v14 =	vimm.f32 $0.0e+00;
	v20 =	vld [tilespmem:s28+$0x14810]  }
0xdd: {  	s29 =	simm.s32 $0x1000;
	v15 =	vimm.f32 $0.0e+00;
	v13 =	vimm.f32 $0.0e+00;
	v12 =	vimm.f32 $0.0e+00;
	v18 =	vld [tilespmem:s28+$0x14820]  }
.LBB2_7:
0xde: {  	p0 =	sne.s32 s29, $0x18000;
	v21 =	vld [tilespmem:s28+$0x14830]  }
0xdf: {  	v22 =	vld [tilespmem:s28+$0x148A0]  }
0xe0: {  	v23 =	vld [tilespmem:s28+$0x148B0]  }
0xe1: {  	v24 =	vld [tilespmem:s28+$0x14920]  }
0xe2: {  	v13 =	vadd.f32 v19, v13;
	v15 =	vadd.f32 v20, v15;
	v19 =	vld [tilespmem:s28+$0x14930]  }
0xe3: {  	v14 =	vadd.f32 v18, v14;
	v18 =	vld [tilespmem:s28+$0x149A0];
	v12 =	vadd.f32 v21, v12  }
0xe4: {  	v13 =	vadd.f32 v17, v13;
	v15 =	vadd.f32 v16, v15;
	v16 =	vld [tilespmem:s28+$0x149B0]  }
0xe5: {  	v14 =	vadd.f32 v22, v14;
	v17 =	vld [tilespmem:s28+$0x14A20];
	v12 =	vadd.f32 v23, v12  }
0xe6: {  	v11 =	vadd.f32 v11, v13;
	v10 =	vadd.f32 v10, v15;
	v13 =	vld [tilespmem:s28+$0x14A30]  }
0xe7: {  	v14 =	vadd.f32 v24, v14;
	v15 =	vld [tilespmem:s28+$0x14AA0];
	v12 =	vadd.f32 v19, v12  }
0xe8: {  	v9 =	vadd.f32 v9, v11;
	v8 =	vadd.f32 v8, v10;
	v10 =	vld [tilespmem:s28+$0x14AB0]  }
0xe9: {  	v11 =	vadd.f32 v18, v14;
	v14 =	vld [tilespmem:s28+$0x14B20];
	v12 =	vadd.f32 v16, v12  }
0xea: {  	v6 =	vadd.f32 v6, v9;
	v7 =	vadd.f32 v7, v8;
	v8 =	vld [tilespmem:s28+$0x14B30]  }
0xeb: {  	v9 =	vadd.f32 v17, v11;
	v11 =	vld [tilespmem:s28+$0x14BA0];
	v12 =	vadd.f32 v13, v12  }
0xec: {  	v4 =	vadd.f32 v4, v6;
	v5 =	vadd.f32 v5, v7;
	v6 =	vld [tilespmem:s28+$0x14BB0];
	s28 =	sshra.s32 s29, $0x2  }
0xed: {  	v9 =	vadd.f32 v15, v9;
	v7 =	vld [tilespmem:s28+$0x14B80];
	v10 =	vadd.f32 v10, v12  }
0xee: {  	v4 =	vadd.f32 v2, v4;
	v5 =	vadd.f32 v3, v5;
	v16 =	vld [tilespmem:s28+$0x14B90]  }
0xef: {  	v9 =	vadd.f32 v14, v9;
	v2 =	vld [tilespmem:s28+$0x14B00];
	v8 =	vadd.f32 v8, v10  }
0xf0: {  	v13 =	vadd.f32 v0, v4;
	v15 =	vadd.f32 v1, v5;
	v3 =	vld [tilespmem:s28+$0x14B10]  }
0xf1: {  	v14 =	vadd.f32 v11, v9;
	v4 =	vld [tilespmem:s28+$0x14A80];
	v12 =	vadd.f32 v6, v8  }
0xf2: {  	v5 =	vld [tilespmem:s28+$0x14A90];
	v0 =	vmov v7  }
0xf3: {  	v6 =	vld [tilespmem:s28+$0x14A00];
	v1 =	vmov v16  }
0xf4: {  	v7 =	vld [tilespmem:s28+$0x14A10]  }
0xf5: {  	v9 =	vld [tilespmem:s28+$0x14980]  }
0xf6: {  	v8 =	vld [tilespmem:s28+$0x14990]  }
0xf7: {  	v11 =	vld [tilespmem:s28+$0x14900]  }
0xf8: {  	v10 =	vld [tilespmem:s28+$0x14910]  }
.Ltmp2:
0xf9: {  	v17 =	vld [tilespmem:s28+$0x14880];
	(pc) =	sbr.rel @p0 .LBB2_7-.Ltmp2, $4  }
0xfa: {  	v16 =	vld [tilespmem:s28+$0x14890]  }
0xfb: {  	v19 =	vld [tilespmem:s28+$0x14800]  }
0xfc: {  	v20 =	vld [tilespmem:s28+$0x14810]  }
0xfd: {  	s29 =	sadd.s32 $0x1000, s29;
	v18 =	vld [tilespmem:s28+$0x14820]  }
0xfe: {  	v21 =	vld [tilespmem:s28+$0x14830]  }
0xff: {  	v22 =	vld [tilespmem:s28+$0x148A0]  }
0x100: {  	v23 =	vld [tilespmem:s28+$0x148B0];
	v13 =	vadd.f32 v19, v13  }
0x101: {  	v46 =	vld [tilespmem:s28+$0x14920];
	v15 =	vadd.f32 v20, v15  }
0x102: {  	v47 =	vld [tilespmem:s28+$0x14930];
	v14 =	vadd.f32 v18, v14;
	v13 =	vadd.f32 v17, v13  }
0x103: {  	v48 =	vld [tilespmem:s28+$0x149A0];
	v12 =	vadd.f32 v21, v12;
	v15 =	vadd.f32 v16, v15  }
0x104: {  	v49 =	vld [tilespmem:s28+$0x149B0];
	v14 =	vadd.f32 v22, v14;
	v11 =	vadd.f32 v11, v13  }
0x105: {  	v50 =	vld [tilespmem:s28+$0x14A20];
	v12 =	vadd.f32 v23, v12;
	v10 =	vadd.f32 v10, v15  }
0x106: {  	v51 =	vld [tilespmem:s28+$0x14A30];
	v14 =	vadd.f32 v46, v14;
	v9 =	vadd.f32 v9, v11  }
0x107: {  	v52 =	vld [tilespmem:s28+$0x14AA0];
	v12 =	vadd.f32 v47, v12;
	v8 =	vadd.f32 v8, v10  }
0x108: {  	v53 =	vld [tilespmem:s28+$0x14AB0];
	v14 =	vadd.f32 v48, v14;
	v6 =	vadd.f32 v6, v9  }
0x109: {  	v54 =	vld [tilespmem:s28+$0x14B20];
	v12 =	vadd.f32 v49, v12;
	v7 =	vadd.f32 v7, v8  }
0x10a: {  	v55 =	vld [tilespmem:s28+$0x14B30];
	v13 =	vadd.f32 v50, v14;
	v4 =	vadd.f32 v4, v6  }
0x10b: {  	v56 =	vld [tilespmem:s28+$0x14BA0];
	v12 =	vadd.f32 v51, v12;
	v5 =	vadd.f32 v5, v7  }
0x10c: {  	v57 =	vld [tilespmem:s28+$0x14BB0];
	v11 =	vadd.f32 v52, v13;
	v2 =	vadd.f32 v2, v4  }
0x10d: {  	v58 =	vadd.f32 v53, v12;
	v3 =	vadd.f32 v3, v5  }
0x10e: {  	v59 =	vadd.f32 v54, v11;
	v0 =	vadd.f32 v0, v2  }
0x10f: {  	s24 =	sadd.s32 $0x1, s24;
	v60 =	vadd.f32 v55, v58;
	v1 =	vadd.f32 v1, v3  }
0x110: {  	p0 =	sne.s32 s24, $0x2A;
	v61 =	vadd.f32 v56, v59;
	v0 =	vmul.f32 $4.999999890e-03, v0  }
.Ltmp3:
0x111: {  	v2 =	vadd.f32 v57, v60;
	v1 =	vmul.f32 $4.999999890e-03, v1;
	(pc) =	sbr.rel @p0 .LBB2_2-.Ltmp3, $4  }
0x112: {  	[tilespmem:s26+$0x1AC00] =	vst v0;
	v62 =	vmul.f32 $4.999999890e-03, v61  }
0x113: {  	[tilespmem:s25+$0x1AD10] =	vst v1;
	v63 =	vmul.f32 $4.999999890e-03, v2  }
0x114: {  	[tilespmem:s25+$0x1AD20] =	vst v62  }
0x115: {  	[tilespmem:s25+$0x1AD30] =	vst v63  }
0x116: {  	_ =	swait.ge [sflag:s21], $0x4000  }
0x117: {  	[sflag:s21] =	ssyncset.done $0x0  }
0x118: {  	[sflag:s21] =	ssyncadd.s32 $0xFFFFC000  }
0x119: {  	_ =	swait.ge [sflag:s21], $0x2400  }
0x11a: {  	[sflag:s21] =	ssyncset.done $0x0  }
0x11b: {  	s24 =	simm.s32 $0x0;
	[sflag:s21] =	ssyncadd.s32 $0xFFFFDC00  }
0x11c: {  	v0 =	vld [tilespmem:s24+$0x8380]  }
0x11d: {  	v1 =	vld [tilespmem:s24+$0x8390]  }
0x11e: {  	v2 =	vld [tilespmem:s24+$0x8300]  }
0x11f: {  	v3 =	vld [tilespmem:s24+$0x8310]  }
0x120: {  	v4 =	vld [tilespmem:s24+$0x8280]  }
0x121: {  	v5 =	vld [tilespmem:s24+$0x8290]  }
0x122: {  	v6 =	vld [tilespmem:s24+$0x8200]  }
0x123: {  	v7 =	vld [tilespmem:s24+$0x8210]  }
0x124: {  	v9 =	vld [tilespmem:s24+$0x8180]  }
0x125: {  	v8 =	vld [tilespmem:s24+$0x8190]  }
0x126: {  	v11 =	vld [tilespmem:s24+$0x8100]  }
0x127: {  	v10 =	vld [tilespmem:s24+$0x8110]  }
0x128: {  	v17 =	vld [tilespmem:s24+$0x8080]  }
0x129: {  	v16 =	vld [tilespmem:s24+$0x8090]  }
0x12a: {  	v19 =	vld [tilespmem:s24+$0x8000]  }
0x12b: {  	v13 =	vimm.f32 $0.0e+00;
	v20 =	vld [tilespmem:s24+$0x8010]  }
0x12c: {  	s25 =	simm.s32 $0x1000;
	v15 =	vimm.f32 $0.0e+00;
	v14 =	vimm.f32 $0.0e+00;
	v12 =	vimm.f32 $0.0e+00;
	v18 =	vld [tilespmem:s24+$0x8020]  }
.LBB2_10:
0x12d: {  	p0 =	sne.s32 s25, $0x18000;
	v21 =	vld [tilespmem:s24+$0x8030]  }
0x12e: {  	v22 =	vld [tilespmem:s24+$0x80A0]  }
0x12f: {  	v23 =	vld [tilespmem:s24+$0x80B0]  }
0x130: {  	v24 =	vld [tilespmem:s24+$0x8120]  }
0x131: {  	v13 =	vadd.f32 v19, v13;
	v15 =	vadd.f32 v20, v15;
	v19 =	vld [tilespmem:s24+$0x8130]  }
0x132: {  	v14 =	vadd.f32 v18, v14;
	v18 =	vld [tilespmem:s24+$0x81A0];
	v12 =	vadd.f32 v21, v12  }
0x133: {  	v13 =	vadd.f32 v17, v13;
	v15 =	vadd.f32 v16, v15;
	v16 =	vld [tilespmem:s24+$0x81B0]  }
0x134: {  	v14 =	vadd.f32 v22, v14;
	v17 =	vld [tilespmem:s24+$0x8220];
	v12 =	vadd.f32 v23, v12  }
0x135: {  	v11 =	vadd.f32 v11, v13;
	v10 =	vadd.f32 v10, v15;
	v13 =	vld [tilespmem:s24+$0x8230]  }
0x136: {  	v14 =	vadd.f32 v24, v14;
	v15 =	vld [tilespmem:s24+$0x82A0];
	v12 =	vadd.f32 v19, v12  }
0x137: {  	v9 =	vadd.f32 v9, v11;
	v8 =	vadd.f32 v8, v10;
	v10 =	vld [tilespmem:s24+$0x82B0]  }
0x138: {  	v11 =	vadd.f32 v18, v14;
	v14 =	vld [tilespmem:s24+$0x8320];
	v12 =	vadd.f32 v16, v12  }
0x139: {  	v6 =	vadd.f32 v6, v9;
	v7 =	vadd.f32 v7, v8;
	v8 =	vld [tilespmem:s24+$0x8330]  }
0x13a: {  	v9 =	vadd.f32 v17, v11;
	v11 =	vld [tilespmem:s24+$0x83A0];
	v12 =	vadd.f32 v13, v12  }
0x13b: {  	v4 =	vadd.f32 v4, v6;
	v5 =	vadd.f32 v5, v7;
	v6 =	vld [tilespmem:s24+$0x83B0];
	s24 =	sshra.s32 s25, $0x2  }
0x13c: {  	v9 =	vadd.f32 v15, v9;
	v7 =	vld [tilespmem:s24+$0x8380];
	v10 =	vadd.f32 v10, v12  }
0x13d: {  	v4 =	vadd.f32 v2, v4;
	v5 =	vadd.f32 v3, v5;
	v16 =	vld [tilespmem:s24+$0x8390]  }
0x13e: {  	v9 =	vadd.f32 v14, v9;
	v2 =	vld [tilespmem:s24+$0x8300];
	v8 =	vadd.f32 v8, v10  }
0x13f: {  	v13 =	vadd.f32 v0, v4;
	v15 =	vadd.f32 v1, v5;
	v3 =	vld [tilespmem:s24+$0x8310]  }
0x140: {  	v14 =	vadd.f32 v11, v9;
	v4 =	vld [tilespmem:s24+$0x8280];
	v12 =	vadd.f32 v6, v8  }
0x141: {  	v5 =	vld [tilespmem:s24+$0x8290];
	v0 =	vmov v7  }
0x142: {  	v6 =	vld [tilespmem:s24+$0x8200];
	v1 =	vmov v16  }
0x143: {  	v7 =	vld [tilespmem:s24+$0x8210]  }
0x144: {  	v9 =	vld [tilespmem:s24+$0x8180]  }
0x145: {  	v8 =	vld [tilespmem:s24+$0x8190]  }
0x146: {  	v11 =	vld [tilespmem:s24+$0x8100]  }
0x147: {  	v10 =	vld [tilespmem:s24+$0x8110]  }
.Ltmp4:
0x148: {  	v17 =	vld [tilespmem:s24+$0x8080];
	(pc) =	sbr.rel @p0 .LBB2_10-.Ltmp4, $4  }
0x149: {  	v16 =	vld [tilespmem:s24+$0x8090]  }
0x14a: {  	v19 =	vld [tilespmem:s24+$0x8000]  }
0x14b: {  	v20 =	vld [tilespmem:s24+$0x8010]  }
0x14c: {  	s25 =	sadd.s32 $0x1000, s25;
	v18 =	vld [tilespmem:s24+$0x8020]  }
0x14d: {  	v21 =	vld [tilespmem:s24+$0x8030]  }
0x14e: {  	v22 =	vld [tilespmem:s24+$0x80A0]  }
0x14f: {  	v23 =	vld [tilespmem:s24+$0x80B0];
	v13 =	vadd.f32 v19, v13  }
0x150: {  	v19 =	vld [tilespmem:s24+$0x8120];
	v15 =	vadd.f32 v20, v15  }
0x151: {  	v20 =	vld [tilespmem:s24+$0x8130];
	v14 =	vadd.f32 v18, v14;
	v13 =	vadd.f32 v17, v13  }
0x152: {  	v17 =	vld [tilespmem:s24+$0x81A0];
	v12 =	vadd.f32 v21, v12;
	v15 =	vadd.f32 v16, v15  }
0x153: {  	v16 =	vld [tilespmem:s24+$0x81B0];
	v14 =	vadd.f32 v22, v14;
	v11 =	vadd.f32 v11, v13  }
0x154: {  	v13 =	vld [tilespmem:s24+$0x8220];
	v12 =	vadd.f32 v23, v12;
	v10 =	vadd.f32 v10, v15  }
0x155: {  	v15 =	vld [tilespmem:s24+$0x8230];
	v14 =	vadd.f32 v19, v14;
	v9 =	vadd.f32 v9, v11  }
0x156: {  	v11 =	vld [tilespmem:s24+$0x82A0];
	v12 =	vadd.f32 v20, v12;
	v8 =	vadd.f32 v8, v10  }
0x157: {  	v10 =	vld [tilespmem:s24+$0x82B0];
	v14 =	vadd.f32 v17, v14;
	v6 =	vadd.f32 v6, v9  }
0x158: {  	v9 =	vld [tilespmem:s24+$0x8320];
	v12 =	vadd.f32 v16, v12;
	v7 =	vadd.f32 v7, v8  }
0x159: {  	v8 =	vld [tilespmem:s24+$0x8330];
	v13 =	vadd.f32 v13, v14;
	v4 =	vadd.f32 v4, v6  }
0x15a: {  	v6 =	vld [tilespmem:s24+$0x83A0];
	v12 =	vadd.f32 v15, v12;
	v5 =	vadd.f32 v5, v7  }
0x15b: {  	v7 =	vld [tilespmem:s24+$0x83B0];
	v11 =	vadd.f32 v11, v13;
	v2 =	vadd.f32 v2, v4  }
0x15c: {  	v4 =	vadd.f32 v10, v12;
	v3 =	vadd.f32 v3, v5  }
0x15d: {  	v5 =	vadd.f32 v9, v11;
	v0 =	vadd.f32 v0, v2  }
0x15e: {  	v2 =	vadd.f32 v8, v4;
	v1 =	vadd.f32 v1, v3  }
0x15f: {  	v3 =	vadd.f32 v6, v5;
	v0 =	vmul.f32 $4.999999890e-03, v0  }
0x160: {  	v2 =	vadd.f32 v7, v2;
	v1 =	vmul.f32 $4.999999890e-03, v1  }
0x161: {  	[tilespmem:$0x1EB00] =	vst v0;
	v0 =	vmul.f32 $4.999999890e-03, v3  }
0x162: {  	[tilespmem:$0x1EB10] =	vst v1;
	v1 =	vmul.f32 $4.999999890e-03, v2  }
0x163: {  	[tilespmem:$0x1EB20] =	vst v0  }
0x164: {  	[tilespmem:$0x1EB30] =	vst v1  }
0x165: {  	_ =	swait.ge [sflag:s21], $0x4000  }
0x166: {  	[sflag:s21] =	ssyncset.done $0x0  }
0x167: {  	[sflag:s21] =	ssyncadd.s32 $0xFFFFC000  }
0x168: {  	_ =	swait.ge [sflag:s21], $0x2400  }
0x169: {  	[sflag:s21] =	ssyncset.done $0x0  }
0x16a: {  	s24 =	simm.s32 $0x0;
	[sflag:s21] =	ssyncadd.s32 $0xFFFFDC00  }
0x16b: {  	v0 =	vld [tilespmem:s24+$0xE780]  }
0x16c: {  	v1 =	vld [tilespmem:s24+$0xE790]  }
0x16d: {  	v2 =	vld [tilespmem:s24+$0xE700]  }
0x16e: {  	v3 =	vld [tilespmem:s24+$0xE710]  }
0x16f: {  	v4 =	vld [tilespmem:s24+$0xE680]  }
0x170: {  	v5 =	vld [tilespmem:s24+$0xE690]  }
0x171: {  	v6 =	vld [tilespmem:s24+$0xE600]  }
0x172: {  	v7 =	vld [tilespmem:s24+$0xE610]  }
0x173: {  	v9 =	vld [tilespmem:s24+$0xE580]  }
0x174: {  	v8 =	vld [tilespmem:s24+$0xE590]  }
0x175: {  	v11 =	vld [tilespmem:s24+$0xE500]  }
0x176: {  	v10 =	vld [tilespmem:s24+$0xE510]  }
0x177: {  	v17 =	vld [tilespmem:s24+$0xE480]  }
0x178: {  	v16 =	vld [tilespmem:s24+$0xE490]  }
0x179: {  	v19 =	vld [tilespmem:s24+$0xE400]  }
0x17a: {  	v14 =	vimm.f32 $0.0e+00;
	v20 =	vld [tilespmem:s24+$0xE410]  }
0x17b: {  	s25 =	simm.s32 $0x1000;
	v15 =	vimm.f32 $0.0e+00;
	v13 =	vimm.f32 $0.0e+00;
	v12 =	vimm.f32 $0.0e+00;
	v18 =	vld [tilespmem:s24+$0xE420]  }
.LBB2_12:
0x17c: {  	p0 =	sne.s32 s25, $0x18000;
	v21 =	vld [tilespmem:s24+$0xE430]  }
0x17d: {  	v22 =	vld [tilespmem:s24+$0xE4A0]  }
0x17e: {  	v23 =	vld [tilespmem:s24+$0xE4B0]  }
0x17f: {  	v24 =	vld [tilespmem:s24+$0xE520]  }
0x180: {  	v13 =	vadd.f32 v19, v13;
	v15 =	vadd.f32 v20, v15;
	v19 =	vld [tilespmem:s24+$0xE530]  }
0x181: {  	v14 =	vadd.f32 v18, v14;
	v18 =	vld [tilespmem:s24+$0xE5A0];
	v12 =	vadd.f32 v21, v12  }
0x182: {  	v13 =	vadd.f32 v17, v13;
	v15 =	vadd.f32 v16, v15;
	v16 =	vld [tilespmem:s24+$0xE5B0]  }
0x183: {  	v14 =	vadd.f32 v22, v14;
	v17 =	vld [tilespmem:s24+$0xE620];
	v12 =	vadd.f32 v23, v12  }
0x184: {  	v11 =	vadd.f32 v11, v13;
	v10 =	vadd.f32 v10, v15;
	v13 =	vld [tilespmem:s24+$0xE630]  }
0x185: {  	v14 =	vadd.f32 v24, v14;
	v15 =	vld [tilespmem:s24+$0xE6A0];
	v12 =	vadd.f32 v19, v12  }
0x186: {  	v9 =	vadd.f32 v9, v11;
	v8 =	vadd.f32 v8, v10;
	v10 =	vld [tilespmem:s24+$0xE6B0]  }
0x187: {  	v11 =	vadd.f32 v18, v14;
	v14 =	vld [tilespmem:s24+$0xE720];
	v12 =	vadd.f32 v16, v12  }
0x188: {  	v6 =	vadd.f32 v6, v9;
	v7 =	vadd.f32 v7, v8;
	v8 =	vld [tilespmem:s24+$0xE730]  }
0x189: {  	v9 =	vadd.f32 v17, v11;
	v11 =	vld [tilespmem:s24+$0xE7A0];
	v12 =	vadd.f32 v13, v12  }
0x18a: {  	v4 =	vadd.f32 v4, v6;
	v5 =	vadd.f32 v5, v7;
	v6 =	vld [tilespmem:s24+$0xE7B0];
	s24 =	sshra.s32 s25, $0x2  }
0x18b: {  	v9 =	vadd.f32 v15, v9;
	v7 =	vld [tilespmem:s24+$0xE780];
	v10 =	vadd.f32 v10, v12  }
0x18c: {  	v4 =	vadd.f32 v2, v4;
	v5 =	vadd.f32 v3, v5;
	v16 =	vld [tilespmem:s24+$0xE790]  }
0x18d: {  	v9 =	vadd.f32 v14, v9;
	v2 =	vld [tilespmem:s24+$0xE700];
	v8 =	vadd.f32 v8, v10  }
0x18e: {  	v13 =	vadd.f32 v0, v4;
	v15 =	vadd.f32 v1, v5;
	v3 =	vld [tilespmem:s24+$0xE710]  }
0x18f: {  	v14 =	vadd.f32 v11, v9;
	v4 =	vld [tilespmem:s24+$0xE680];
	v12 =	vadd.f32 v6, v8  }
0x190: {  	v5 =	vld [tilespmem:s24+$0xE690];
	v0 =	vmov v7  }
0x191: {  	v6 =	vld [tilespmem:s24+$0xE600];
	v1 =	vmov v16  }
0x192: {  	v7 =	vld [tilespmem:s24+$0xE610]  }
0x193: {  	v9 =	vld [tilespmem:s24+$0xE580]  }
0x194: {  	v8 =	vld [tilespmem:s24+$0xE590]  }
0x195: {  	v11 =	vld [tilespmem:s24+$0xE500]  }
0x196: {  	v10 =	vld [tilespmem:s24+$0xE510]  }
.Ltmp5:
0x197: {  	v17 =	vld [tilespmem:s24+$0xE480];
	(pc) =	sbr.rel @p0 .LBB2_12-.Ltmp5, $4  }
0x198: {  	v16 =	vld [tilespmem:s24+$0xE490]  }
0x199: {  	v19 =	vld [tilespmem:s24+$0xE400]  }
0x19a: {  	v20 =	vld [tilespmem:s24+$0xE410]  }
0x19b: {  	s25 =	sadd.s32 $0x1000, s25;
	v18 =	vld [tilespmem:s24+$0xE420]  }
0x19c: {  	v21 =	vld [tilespmem:s24+$0xE430]  }
0x19d: {  	v22 =	vld [tilespmem:s24+$0xE4A0]  }
0x19e: {  	v23 =	vld [tilespmem:s24+$0xE4B0];
	v13 =	vadd.f32 v19, v13  }
0x19f: {  	v46 =	vld [tilespmem:s24+$0xE520];
	v15 =	vadd.f32 v20, v15  }
0x1a0: {  	v47 =	vld [tilespmem:s24+$0xE530];
	v14 =	vadd.f32 v18, v14;
	v13 =	vadd.f32 v17, v13  }
0x1a1: {  	v48 =	vld [tilespmem:s24+$0xE5A0];
	v12 =	vadd.f32 v21, v12;
	v15 =	vadd.f32 v16, v15  }
0x1a2: {  	v49 =	vld [tilespmem:s24+$0xE5B0];
	v14 =	vadd.f32 v22, v14;
	v11 =	vadd.f32 v11, v13  }
0x1a3: {  	v50 =	vld [tilespmem:s24+$0xE620];
	v12 =	vadd.f32 v23, v12;
	v10 =	vadd.f32 v10, v15  }
0x1a4: {  	v51 =	vld [tilespmem:s24+$0xE630];
	v14 =	vadd.f32 v46, v14;
	v9 =	vadd.f32 v9, v11  }
0x1a5: {  	v52 =	vld [tilespmem:s24+$0xE6A0];
	v12 =	vadd.f32 v47, v12;
	v8 =	vadd.f32 v8, v10  }
0x1a6: {  	v53 =	vld [tilespmem:s24+$0xE6B0];
	v14 =	vadd.f32 v48, v14;
	v6 =	vadd.f32 v6, v9  }
0x1a7: {  	v54 =	vld [tilespmem:s24+$0xE720];
	v12 =	vadd.f32 v49, v12;
	v7 =	vadd.f32 v7, v8  }
0x1a8: {  	v55 =	vld [tilespmem:s24+$0xE730];
	v13 =	vadd.f32 v50, v14;
	v4 =	vadd.f32 v4, v6  }
0x1a9: {  	v56 =	vld [tilespmem:s24+$0xE7A0];
	v12 =	vadd.f32 v51, v12;
	v5 =	vadd.f32 v5, v7  }
0x1aa: {  	v57 =	vld [tilespmem:s24+$0xE7B0];
	v11 =	vadd.f32 v52, v13;
	v2 =	vadd.f32 v2, v4  }
0x1ab: {  	v58 =	vadd.f32 v53, v12;
	v3 =	vadd.f32 v3, v5  }
0x1ac: {  	v59 =	vadd.f32 v54, v11;
	v0 =	vadd.f32 v0, v2  }
0x1ad: {  	v60 =	vadd.f32 v55, v58;
	v1 =	vadd.f32 v1, v3  }
0x1ae: {  	v61 =	vadd.f32 v56, v59;
	v0 =	vmul.f32 $4.999999890e-03, v0  }
0x1af: {  	v2 =	vadd.f32 v57, v60;
	v1 =	vmul.f32 $4.999999890e-03, v1  }
0x1b0: {  	[tilespmem:$0x1EB80] =	vst v0;
	v62 =	vmul.f32 $4.999999890e-03, v61  }
0x1b1: {  	s23 =	sadd.s32 $0x1, s23;
	[tilespmem:$0x1EB90] =	vst v1;
	v63 =	vmul.f32 $4.999999890e-03, v2  }
0x1b2: {  	p0 =	sne.s32 s23, s7;
	[tilespmem:$0x1EBA0] =	vst v62  }
.Ltmp6:
0x1b3: {  	[tilespmem:$0x1EBB0] =	vst v63;
	(pc) =	sbr.rel @p0 .LBB2_1-.Ltmp6, $4  }
0x1b4: {  	[hbm4b:s6+s2] =	stream.linear.scatter [tilespmem:s22], [sflag:$0x2], $0x4000, $0x38;
	[tilespmem:$0x1EC00] =	vst v63  }
0x1b5: {  	_ =	swait.ge [sflag:s10], $0x4000  }
0x1b6: {  	[sflag:s10] =	ssyncset.done $0x0  }
0x1b7: {  	[sflag:s10] =	ssyncadd.s32 $0xFFFFC000  }
0x1b8: {  	_ =	sfence.sel $0x180000  }
0x1b9: {  	[bflag:$0x0] =	sbarrier.arrive $0xFFFF  }
0x1ba: {  	p0 =	sne.s32 s1, $0x0;
	_ =	strace $0x90000047  }
0x1bb: {  	s0 =	sadd.s32 @!p0 $0x100000, s0;
	[bflag:$0x2] =	sbarrier.arrive $0xFFFF  }
0x1bc: {  	[sflag:s0] =	ssyncadd.tile.s32 @!p0 $0x1;
	_ =	shalt  }
.Lfunc_end2:
_tile_overlayer_lowered:
.L_overlay_start_2:
0x1bd: {  	(tag) =	ssettag $0x2  }
0x1be: {  	s0 =	rddreg [dreg:$0x0];
	s2 =	stileid.u32  }
0x1bf: {  	s1 =	rddreg [dreg:$0x1];
	p0 =	sne.s32 s2, $0x0  }
0x1c0: {  	s3 =	rddreg [dreg:$0x2];
	[bflag:$0x3] =	sbarrier.arrive $0xFFFF;
	s2 =	simm.s32 @!p0 $0x1C02  }
0x1c1: {  	[timem:s3], [sflag:s2] =	dma.local @!p0 [hbm:s0], s1  }
0x1c2: {  	s0 =	simm.s32 @!p0 $0x2  }
0x1c3: {  	_ =	swait.ge @!p0 [sflag:s0], s1  }
0x1c4: {  	s1 =	ssub.s32 @!p0 $0x0, s1;
	[sflag:s0] =	ssyncset.done @!p0 $0x0  }
0x1c5: {  	[sflag:s0] =	ssyncadd.s32 @!p0 s1  }
0x1c6: {  	[bflag:$0x3] =	sbarrier.arrive $0xFFFF  }
0x1c7: {  	_ =	shalt  }

</sc_bundles>
